<compile_context>
chip_gen: v7x
topology: tpu7x:2x2x1
jax: 0.10.2.dev20260603
libtpu: 0.0.44.dev20260713+nightly
codegen_flags: <defaults>
</compile_context>

<pallas_src>
import jax
import jax.numpy as jnp
from jax import lax
from jax.experimental import pallas as pl
from jax.experimental.pallas import tpu as pltpu
from jax.experimental.pallas import tpu_sc as plsc

_ROWS = 16384
_D = 2048
_NC = 2
_NS = 16
_NW = _NC * _NS
_ROWS_PER_W = _ROWS // _NW
_CHUNK = 16
_NCHUNK = _ROWS_PER_W // _CHUNK
_NBUF = 3


def _sc_copy_body(x_hbm, o_hbm, *rest):
    bufs = rest[:_NBUF]
    rsems = rest[_NBUF:2 * _NBUF]
    wsems = rest[2 * _NBUF:3 * _NBUF]
    wid = lax.axis_index("s") * _NC + lax.axis_index("c")
    base = wid * _ROWS_PER_W
    reads = [None] * _NBUF
    writes = [None] * _NBUF
    for g in range(_NBUF - 1):
        reads[g] = pltpu.async_copy(
            x_hbm.at[pl.ds(base + g * _CHUNK, _CHUNK)], bufs[g], rsems[g])
    for g in range(_NCHUNK):
        b = g % _NBUF
        reads[b].wait()
        writes[b] = pltpu.async_copy(
            bufs[b], o_hbm.at[pl.ds(base + g * _CHUNK, _CHUNK)], wsems[b])
        nxt = g + _NBUF - 1
        if nxt < _NCHUNK:
            nb = nxt % _NBUF
            if writes[nb] is not None:
                writes[nb].wait()
            reads[nb] = pltpu.async_copy(
                x_hbm.at[pl.ds(base + nxt * _CHUNK, _CHUNK)],
                bufs[nb], rsems[nb])
    for b in range(_NBUF):
        if writes[b] is not None:
            writes[b].wait()


def kernel(x, rel_pos_bias):
    del rel_pos_bias
    b, s, d = x.shape
    x2 = x.reshape(b * s, d)
    mesh = plsc.VectorSubcoreMesh(core_axis_name="c", subcore_axis_name="s")
    sc_copy = pl.kernel(
        _sc_copy_body,
        out_type=jax.ShapeDtypeStruct((b * s, d), x.dtype),
        mesh=mesh,
        scratch_types=(
            [pltpu.VMEM((_CHUNK, _D), jnp.float32)] * _NBUF
            + [pltpu.SemaphoreType.DMA] * (2 * _NBUF)
        ),
    )
    return sc_copy(x2).reshape(b, s, d)

# --- scband reference (transcript-rebuilt; emitter-appended) ---
"""Pipeline reference for scband-relative-positional-encoding-14113262535510 (READ-ONLY COPY).

The authoritative reference and input builder live on the scoring server;
editing this copy changes nothing except your own understanding.
"""

import jax, jax.numpy as jnp
import numpy as np

D_MODEL = 2048
MAX_LEN = 5000

def setup_inputs(seed: int = 0) -> dict:
    key = jax.random.key(seed)
    k1, k2 = jax.random.split(key)
    x = jax.random.normal(k1, (4, 4096, D_MODEL), dtype=jnp.float32)
    # learned parameter: nn.Embedding(2*max_len-1, 1) weight table
    rel_pos_bias = jax.random.normal(k2, (2 * MAX_LEN - 1, 1), dtype=jnp.float32) * 0.02
    return {"x": x, "rel_pos_bias": rel_pos_bias}

def get_rel_pos_bias(rel_pos_bias, seq_len):
    # faithful translation of the module's helper (embedding gather on SparseCore)
    range_vec = jnp.arange(seq_len)
    range_mat = jnp.broadcast_to(range_vec[:, None], (seq_len, seq_len))
    distance_mat = range_mat - range_mat.T
    distance_mat = distance_mat + MAX_LEN - 1
    bias = jnp.take(rel_pos_bias, distance_mat, axis=0)[..., 0]
    return bias[None, None, :, :]

def reference(x, rel_pos_bias):
    # The torch module's forward(x) is the identity; the embedding table is only
    # consumed via get_rel_pos_bias. We reproduce forward faithfully.
    return x

if __name__ == "__main__":
    import jax
    _d = setup_inputs()
    print(jax.jit(kernel)(*tuple(_d.values())))

</pallas_src>

<mosaic_0001>
#map = affine_map<(d0, d1) -> (0, 0)>
module attributes {stable_mosaic.version = 14 : i64} {
  func.func @_sc_copy_body(%arg0: i32, %arg1: i32, %arg2: memref<16384x2048xf32, #tpu.memory_space<hbm>>, %arg3: memref<16384x2048xf32, #tpu.memory_space<hbm>>, %arg4: memref<16x2048xf32, #tpu.memory_space<vmem>>, %arg5: memref<16x2048xf32, #tpu.memory_space<vmem>>, %arg6: memref<16x2048xf32, #tpu.memory_space<vmem>>, %arg7: memref<!tpu.dma_semaphore, #tpu.memory_space<semaphore_mem>>, %arg8: memref<!tpu.dma_semaphore, #tpu.memory_space<semaphore_mem>>, %arg9: memref<!tpu.dma_semaphore, #tpu.memory_space<semaphore_mem>>, %arg10: memref<!tpu.dma_semaphore, #tpu.memory_space<semaphore_mem>>, %arg11: memref<!tpu.dma_semaphore, #tpu.memory_space<semaphore_mem>>, %arg12: memref<!tpu.dma_semaphore, #tpu.memory_space<semaphore_mem>>) attributes {dimension_semantics = [#tpu.dimension_semantics<core_parallel>, #tpu.dimension_semantics<subcore_parallel>], iteration_bounds = array<i64: 2, 16>, scalar_prefetch = 0 : i64, scratch_operands = 9 : i64, tpu.core_type = #tpu.core_type<sc_vector_subcore>, window_params = [{transform_indices = #map}, {transform_indices = #map}]} {
    %mul3A = arith.constant 2 : i32
    %mul3A_0 = arith.muli %arg1, %mul3A : i32
    %add3A = arith.addi %mul3A_0, %arg0 : i32
    %mul3A_1 = arith.constant 512 : i32
    %mul3A_2 = arith.muli %add3A, %mul3A_1 : i32
    %add3A_3 = arith.constant 0 : i32
    %add3A_4 = arith.addi %mul3A_2, %add3A_3 : i32
    %dma_start3A = arith.constant 0 : i32
    %dma_start3A_5 = tpu.memref_slice %arg2[%add3A_4, %dma_start3A] : memref<16384x2048xf32, #tpu.memory_space<hbm>> -> memref<16x2048xf32, #tpu.memory_space<hbm>>
    %dma_start3A_6 = arith.constant 0 : i32
    %dma_start3A_7 = tpu.memref_slice %arg2[%add3A_4, %dma_start3A_6] : memref<16384x2048xf32, #tpu.memory_space<hbm>> -> memref<16x2048xf32, #tpu.memory_space<hbm>>
    tpu.enqueue_dma source(%dma_start3A_7 : memref<16x2048xf32, #tpu.memory_space<hbm>>) target(%arg4 : memref<16x2048xf32, #tpu.memory_space<vmem>>) target_semaphore(%arg7 : memref<!tpu.dma_semaphore, #tpu.memory_space<semaphore_mem>>)
    %add3A_8 = arith.constant 16 : i32
    %add3A_9 = arith.addi %mul3A_2, %add3A_8 : i32
    %dma_start3A_10 = arith.constant 0 : i32
    %dma_start3A_11 = tpu.memref_slice %arg2[%add3A_9, %dma_start3A_10] : memref<16384x2048xf32, #tpu.memory_space<hbm>> -> memref<16x2048xf32, #tpu.memory_space<hbm>>
    %dma_start3A_12 = arith.constant 0 : i32
    %dma_start3A_13 = tpu.memref_slice %arg2[%add3A_9, %dma_start3A_12] : memref<16384x2048xf32, #tpu.memory_space<hbm>> -> memref<16x2048xf32, #tpu.memory_space<hbm>>
    tpu.enqueue_dma source(%dma_start3A_13 : memref<16x2048xf32, #tpu.memory_space<hbm>>) target(%arg5 : memref<16x2048xf32, #tpu.memory_space<vmem>>) target_semaphore(%arg8 : memref<!tpu.dma_semaphore, #tpu.memory_space<semaphore_mem>>)
    %dma_wait3A = arith.constant 0 : i32
    %dma_wait3A_14 = tpu.memref_slice %arg2[%add3A_4, %dma_wait3A] : memref<16384x2048xf32, #tpu.memory_space<hbm>> -> memref<16x2048xf32, #tpu.memory_space<hbm>>
    %dma_wait3A_15 = arith.constant 0 : i32
    %dma_wait3A_16 = tpu.memref_slice %arg2[%add3A_4, %dma_wait3A_15] : memref<16384x2048xf32, #tpu.memory_space<hbm>> -> memref<16x2048xf32, #tpu.memory_space<hbm>>
    tpu.wait_dma2 semaphore(%arg7 : memref<!tpu.dma_semaphore, #tpu.memory_space<semaphore_mem>>) src(%dma_wait3A_16 : memref<16x2048xf32, #tpu.memory_space<hbm>>) dst(%arg4 : memref<16x2048xf32, #tpu.memory_space<vmem>>)
    %add3A_17 = arith.constant 0 : i32
    %add3A_18 = arith.addi %mul3A_2, %add3A_17 : i32
    %dma_start3A_19 = arith.constant 0 : i32
    %dma_start3A_20 = tpu.memref_slice %arg3[%add3A_18, %dma_start3A_19] : memref<16384x2048xf32, #tpu.memory_space<hbm>> -> memref<16x2048xf32, #tpu.memory_space<hbm>>
    %dma_start3A_21 = arith.constant 0 : i32
    %dma_start3A_22 = tpu.memref_slice %arg3[%add3A_18, %dma_start3A_21] : memref<16384x2048xf32, #tpu.memory_space<hbm>> -> memref<16x2048xf32, #tpu.memory_space<hbm>>
    tpu.enqueue_dma source(%arg4 : memref<16x2048xf32, #tpu.memory_space<vmem>>) target(%dma_start3A_22 : memref<16x2048xf32, #tpu.memory_space<hbm>>) target_semaphore(%arg10 : memref<!tpu.dma_semaphore, #tpu.memory_space<semaphore_mem>>)
    %add3A_23 = arith.constant 32 : i32
    %add3A_24 = arith.addi %mul3A_2, %add3A_23 : i32
    %dma_start3A_25 = arith.constant 0 : i32
    %dma_start3A_26 = tpu.memref_slice %arg2[%add3A_24, %dma_start3A_25] : memref<16384x2048xf32, #tpu.memory_space<hbm>> -> memref<16x2048xf32, #tpu.memory_space<hbm>>
    %dma_start3A_27 = arith.constant 0 : i32
    %dma_start3A_28 = tpu.memref_slice %arg2[%add3A_24, %dma_start3A_27] : memref<16384x2048xf32, #tpu.memory_space<hbm>> -> memref<16x2048xf32, #tpu.memory_space<hbm>>
    tpu.enqueue_dma source(%dma_start3A_28 : memref<16x2048xf32, #tpu.memory_space<hbm>>) target(%arg6 : memref<16x2048xf32, #tpu.memory_space<vmem>>) target_semaphore(%arg9 : memref<!tpu.dma_semaphore, #tpu.memory_space<semaphore_mem>>)
    %dma_wait3A_29 = arith.constant 0 : i32
    %dma_wait3A_30 = tpu.memref_slice %arg2[%add3A_9, %dma_wait3A_29] : memref<16384x2048xf32, #tpu.memory_space<hbm>> -> memref<16x2048xf32, #tpu.memory_space<hbm>>
    %dma_wait3A_31 = arith.constant 0 : i32
    %dma_wait3A_32 = tpu.memref_slice %arg2[%add3A_9, %dma_wait3A_31] : memref<16384x2048xf32, #tpu.memory_space<hbm>> -> memref<16x2048xf32, #tpu.memory_space<hbm>>
    tpu.wait_dma2 semaphore(%arg8 : memref<!tpu.dma_semaphore, #tpu.memory_space<semaphore_mem>>) src(%dma_wait3A_32 : memref<16x2048xf32, #tpu.memory_space<hbm>>) dst(%arg5 : memref<16x2048xf32, #tpu.memory_space<vmem>>)
    %add3A_33 = arith.constant 16 : i32
    %add3A_34 = arith.addi %mul3A_2, %add3A_33 : i32
    %dma_start3A_35 = arith.constant 0 : i32
    %dma_start3A_36 = tpu.memref_slice %arg3[%add3A_34, %dma_start3A_35] : memref<16384x2048xf32, #tpu.memory_space<hbm>> -> memref<16x2048xf32, #tpu.memory_space<hbm>>
    %dma_start3A_37 = arith.constant 0 : i32
    %dma_start3A_38 = tpu.memref_slice %arg3[%add3A_34, %dma_start3A_37] : memref<16384x2048xf32, #tpu.memory_space<hbm>> -> memref<16x2048xf32, #tpu.memory_space<hbm>>
    tpu.enqueue_dma source(%arg5 : memref<16x2048xf32, #tpu.memory_space<vmem>>) target(%dma_start3A_38 : memref<16x2048xf32, #tpu.memory_space<hbm>>) target_semaphore(%arg11 : memref<!tpu.dma_semaphore, #tpu.memory_space<semaphore_mem>>)
    %dma_wait3A_39 = arith.constant 0 : i32
    %dma_wait3A_40 = tpu.memref_slice %arg3[%add3A_18, %dma_wait3A_39] : memref<16384x2048xf32, #tpu.memory_space<hbm>> -> memref<16x2048xf32, #tpu.memory_space<hbm>>
    %dma_wait3A_41 = arith.constant 0 : i32
    %dma_wait3A_42 = tpu.memref_slice %arg3[%add3A_18, %dma_wait3A_41] : memref<16384x2048xf32, #tpu.memory_space<hbm>> -> memref<16x2048xf32, #tpu.memory_space<hbm>>
    tpu.wait_dma2 semaphore(%arg10 : memref<!tpu.dma_semaphore, #tpu.memory_space<semaphore_mem>>) src(%arg4 : memref<16x2048xf32, #tpu.memory_space<vmem>>) dst(%dma_wait3A_42 : memref<16x2048xf32, #tpu.memory_space<hbm>>)
    %add3A_43 = arith.constant 48 : i32
    %add3A_44 = arith.addi %mul3A_2, %add3A_43 : i32
    %dma_start3A_45 = arith.constant 0 : i32
    %dma_start3A_46 = tpu.memref_slice %arg2[%add3A_44, %dma_start3A_45] : memref<16384x2048xf32, #tpu.memory_space<hbm>> -> memref<16x2048xf32, #tpu.memory_space<hbm>>
    %dma_start3A_47 = arith.constant 0 : i32
    %dma_start3A_48 = tpu.memref_slice %arg2[%add3A_44, %dma_start3A_47] : memref<16384x2048xf32, #tpu.memory_space<hbm>> -> memref<16x2048xf32, #tpu.memory_space<hbm>>
    tpu.enqueue_dma source(%dma_start3A_48 : memref<16x2048xf32, #tpu.memory_space<hbm>>) target(%arg4 : memref<16x2048xf32, #tpu.memory_space<vmem>>) target_semaphore(%arg7 : memref<!tpu.dma_semaphore, #tpu.memory_space<semaphore_mem>>)
    %dma_wait3A_49 = arith.constant 0 : i32
    %dma_wait3A_50 = tpu.memref_slice %arg2[%add3A_24, %dma_wait3A_49] : memref<16384x2048xf32, #tpu.memory_space<hbm>> -> memref<16x2048xf32, #tpu.memory_space<hbm>>
    %dma_wait3A_51 = arith.constant 0 : i32
    %dma_wait3A_52 = tpu.memref_slice %arg2[%add3A_24, %dma_wait3A_51] : memref<16384x2048xf32, #tpu.memory_space<hbm>> -> memref<16x2048xf32, #tpu.memory_space<hbm>>
    tpu.wait_dma2 semaphore(%arg9 : memref<!tpu.dma_semaphore, #tpu.memory_space<semaphore_mem>>) src(%dma_wait3A_52 : memref<16x2048xf32, #tpu.memory_space<hbm>>) dst(%arg6 : memref<16x2048xf32, #tpu.memory_space<vmem>>)
    %add3A_53 = arith.constant 32 : i32
    %add3A_54 = arith.addi %mul3A_2, %add3A_53 : i32
    %dma_start3A_55 = arith.constant 0 : i32
    %dma_start3A_56 = tpu.memref_slice %arg3[%add3A_54, %dma_start3A_55] : memref<16384x2048xf32, #tpu.memory_space<hbm>> -> memref<16x2048xf32, #tpu.memory_space<hbm>>
    %dma_start3A_57 = arith.constant 0 : i32
    %dma_start3A_58 = tpu.memref_slice %arg3[%add3A_54, %dma_start3A_57] : memref<16384x2048xf32, #tpu.memory_space<hbm>> -> memref<16x2048xf32, #tpu.memory_space<hbm>>
    tpu.enqueue_dma source(%arg6 : memref<16x2048xf32, #tpu.memory_space<vmem>>) target(%dma_start3A_58 : memref<16x2048xf32, #tpu.memory_space<hbm>>) target_semaphore(%arg12 : memref<!tpu.dma_semaphore, #tpu.memory_space<semaphore_mem>>)
    %dma_wait3A_59 = arith.constant 0 : i32
    %dma_wait3A_60 = tpu.memref_slice %arg3[%add3A_34, %dma_wait3A_59] : memref<16384x2048xf32, #tpu.memory_space<hbm>> -> memref<16x2048xf32, #tpu.memory_space<hbm>>
    %dma_wait3A_61 = arith.constant 0 : i32
    %dma_wait3A_62 = tpu.memref_slice %arg3[%add3A_34, %dma_wait3A_61] : memref<16384x2048xf32, #tpu.memory_space<hbm>> -> memref<16x2048xf32, #tpu.memory_space<hbm>>
    tpu.wait_dma2 semaphore(%arg11 : memref<!tpu.dma_semaphore, #tpu.memory_space<semaphore_mem>>) src(%arg5 : memref<16x2048xf32, #tpu.memory_space<vmem>>) dst(%dma_wait3A_62 : memref<16x2048xf32, #tpu.memory_space<hbm>>)
    %add3A_63 = arith.constant 64 : i32
    %add3A_64 = arith.addi %mul3A_2, %add3A_63 : i32
    %dma_start3A_65 = arith.constant 0 : i32
    %dma_start3A_66 = tpu.memref_slice %arg2[%add3A_64, %dma_start3A_65] : memref<16384x2048xf32, #tpu.memory_space<hbm>> -> memref<16x2048xf32, #tpu.memory_space<hbm>>
    %dma_start3A_67 = arith.constant 0 : i32
    %dma_start3A_68 = tpu.memref_slice %arg2[%add3A_64, %dma_start3A_67] : memref<16384x2048xf32, #tpu.memory_space<hbm>> -> memref<16x2048xf32, #tpu.memory_space<hbm>>
    tpu.enqueue_dma source(%dma_start3A_68 : memref<16x2048xf32, #tpu.memory_space<hbm>>) target(%arg5 : memref<16x2048xf32, #tpu.memory_space<vmem>>) target_semaphore(%arg8 : memref<!tpu.dma_semaphore, #tpu.memory_space<semaphore_mem>>)
    %dma_wait3A_69 = arith.constant 0 : i32
    %dma_wait3A_70 = tpu.memref_slice %arg2[%add3A_44, %dma_wait3A_69] : memref<16384x2048xf32, #tpu.memory_space<hbm>> -> memref<16x2048xf32, #tpu.memory_space<hbm>>
    %dma_wait3A_71 = arith.constant 0 : i32
    %dma_wait3A_72 = tpu.memref_slice %arg2[%add3A_44, %dma_wait3A_71] : memref<16384x2048xf32, #tpu.memory_space<hbm>> -> memref<16x2048xf32, #tpu.memory_space<hbm>>
    tpu.wait_dma2 semaphore(%arg7 : memref<!tpu.dma_semaphore, #tpu.memory_space<semaphore_mem>>) src(%dma_wait3A_72 : memref<16x2048xf32, #tpu.memory_space<hbm>>) dst(%arg4 : memref<16x2048xf32, #tpu.memory_space<vmem>>)
    %add3A_73 = arith.constant 48 : i32
    %add3A_74 = arith.addi %mul3A_2, %add3A_73 : i32
    %dma_start3A_75 = arith.constant 0 : i32
    %dma_start3A_76 = tpu.memref_slice %arg3[%add3A_74, %dma_start3A_75] : memref<16384x2048xf32, #tpu.memory_space<hbm>> -> memref<16x2048xf32, #tpu.memory_space<hbm>>
    %dma_start3A_77 = arith.constant 0 : i32
    %dma_start3A_78 = tpu.memref_slice %arg3[%add3A_74, %dma_start3A_77] : memref<16384x2048xf32, #tpu.memory_space<hbm>> -> memref<16x2048xf32, #tpu.memory_space<hbm>>
    tpu.enqueue_dma source(%arg4 : memref<16x2048xf32, #tpu.memory_space<vmem>>) target(%dma_start3A_78 : memref<16x2048xf32, #tpu.memory_space<hbm>>) target_semaphore(%arg10 : memref<!tpu.dma_semaphore, #tpu.memory_space<semaphore_mem>>)
    %dma_wait3A_79 = arith.constant 0 : i32
    %dma_wait3A_80 = tpu.memref_slice %arg3[%add3A_54, %dma_wait3A_79] : memref<16384x2048xf32, #tpu.memory_space<hbm>> -> memref<16x2048xf32, #tpu.memory_space<hbm>>
    %dma_wait3A_81 = arith.constant 0 : i32
    %dma_wait3A_82 = tpu.memref_slice %arg3[%add3A_54, %dma_wait3A_81] : memref<16384x2048xf32, #tpu.memory_space<hbm>> -> memref<16x2048xf32, #tpu.memory_space<hbm>>
    tpu.wait_dma2 semaphore(%arg12 : memref<!tpu.dma_semaphore, #tpu.memory_space<semaphore_mem>>) src(%arg6 : memref<16x2048xf32, #tpu.memory_space<vmem>>) dst(%dma_wait3A_82 : memref<16x2048xf32, #tpu.memory_space<hbm>>)
    %add3A_83 = arith.constant 80 : i32
    %add3A_84 = arith.addi %mul3A_2, %add3A_83 : i32
    %dma_start3A_85 = arith.constant 0 : i32
    %dma_start3A_86 = tpu.memref_slice %arg2[%add3A_84, %dma_start3A_85] : memref<16384x2048xf32, #tpu.memory_space<hbm>> -> memref<16x2048xf32, #tpu.memory_space<hbm>>
    %dma_start3A_87 = arith.constant 0 : i32
    %dma_start3A_88 = tpu.memref_slice %arg2[%add3A_84, %dma_start3A_87] : memref<16384x2048xf32, #tpu.memory_space<hbm>> -> memref<16x2048xf32, #tpu.memory_space<hbm>>
    tpu.enqueue_dma source(%dma_start3A_88 : memref<16x2048xf32, #tpu.memory_space<hbm>>) target(%arg6 : memref<16x2048xf32, #tpu.memory_space<vmem>>) target_semaphore(%arg9 : memref<!tpu.dma_semaphore, #tpu.memory_space<semaphore_mem>>)
    %dma_wait3A_89 = arith.constant 0 : i32
    %dma_wait3A_90 = tpu.memref_slice %arg2[%add3A_64, %dma_wait3A_89] : memref<16384x2048xf32, #tpu.memory_space<hbm>> -> memref<16x2048xf32, #tpu.memory_space<hbm>>
    %dma_wait3A_91 = arith.constant 0 : i32
    %dma_wait3A_92 = tpu.memref_slice %arg2[%add3A_64, %dma_wait3A_91] : memref<16384x2048xf32, #tpu.memory_space<hbm>> -> memref<16x2048xf32, #tpu.memory_space<hbm>>
    tpu.wait_dma2 semaphore(%arg8 : memref<!tpu.dma_semaphore, #tpu.memory_space<semaphore_mem>>) src(%dma_wait3A_92 : memref<16x2048xf32, #tpu.memory_space<hbm>>) dst(%arg5 : memref<16x2048xf32, #tpu.memory_space<vmem>>)
    %add3A_93 = arith.constant 64 : i32
    %add3A_94 = arith.addi %mul3A_2, %add3A_93 : i32
    %dma_start3A_95 = arith.constant 0 : i32
    %dma_start3A_96 = tpu.memref_slice %arg3[%add3A_94, %dma_start3A_95] : memref<16384x2048xf32, #tpu.memory_space<hbm>> -> memref<16x2048xf32, #tpu.memory_space<hbm>>
    %dma_start3A_97 = arith.constant 0 : i32
    %dma_start3A_98 = tpu.memref_slice %arg3[%add3A_94, %dma_start3A_97] : memref<16384x2048xf32, #tpu.memory_space<hbm>> -> memref<16x2048xf32, #tpu.memory_space<hbm>>
    tpu.enqueue_dma source(%arg5 : memref<16x2048xf32, #tpu.memory_space<vmem>>) target(%dma_start3A_98 : memref<16x2048xf32, #tpu.memory_space<hbm>>) target_semaphore(%arg11 : memref<!tpu.dma_semaphore, #tpu.memory_space<semaphore_mem>>)
    %dma_wait3A_99 = arith.constant 0 : i32
    %dma_wait3A_100 = tpu.memref_slice %arg3[%add3A_74, %dma_wait3A_99] : memref<16384x2048xf32, #tpu.memory_space<hbm>> -> memref<16x2048xf32, #tpu.memory_space<hbm>>
    %dma_wait3A_101 = arith.constant 0 : i32
    %dma_wait3A_102 = tpu.memref_slice %arg3[%add3A_74, %dma_wait3A_101] : memref<16384x2048xf32, #tpu.memory_space<hbm>> -> memref<16x2048xf32, #tpu.memory_space<hbm>>
    tpu.wait_dma2 semaphore(%arg10 : memref<!tpu.dma_semaphore, #tpu.memory_space<semaphore_mem>>) src(%arg4 : memref<16x2048xf32, #tpu.memory_space<vmem>>) dst(%dma_wait3A_102 : memref<16x2048xf32, #tpu.memory_space<hbm>>)
    %add3A_103 = arith.constant 96 : i32
    %add3A_104 = arith.addi %mul3A_2, %add3A_103 : i32
    %dma_start3A_105 = arith.constant 0 : i32
    %dma_start3A_106 = tpu.memref_slice %arg2[%add3A_104, %dma_start3A_105] : memref<16384x2048xf32, #tpu.memory_space<hbm>> -> memref<16x2048xf32, #tpu.memory_space<hbm>>
    %dma_start3A_107 = arith.constant 0 : i32
    %dma_start3A_108 = tpu.memref_slice %arg2[%add3A_104, %dma_start3A_107] : memref<16384x2048xf32, #tpu.memory_space<hbm>> -> memref<16x2048xf32, #tpu.memory_space<hbm>>
    tpu.enqueue_dma source(%dma_start3A_108 : memref<16x2048xf32, #tpu.memory_space<hbm>>) target(%arg4 : memref<16x2048xf32, #tpu.memory_space<vmem>>) target_semaphore(%arg7 : memref<!tpu.dma_semaphore, #tpu.memory_space<semaphore_mem>>)
    %dma_wait3A_109 = arith.constant 0 : i32
    %dma_wait3A_110 = tpu.memref_slice %arg2[%add3A_84, %dma_wait3A_109] : memref<16384x2048xf32, #tpu.memory_space<hbm>> -> memref<16x2048xf32, #tpu.memory_space<hbm>>
    %dma_wait3A_111 = arith.constant 0 : i32
    %dma_wait3A_112 = tpu.memref_slice %arg2[%add3A_84, %dma_wait3A_111] : memref<16384x2048xf32, #tpu.memory_space<hbm>> -> memref<16x2048xf32, #tpu.memory_space<hbm>>
    tpu.wait_dma2 semaphore(%arg9 : memref<!tpu.dma_semaphore, #tpu.memory_space<semaphore_mem>>) src(%dma_wait3A_112 : memref<16x2048xf32, #tpu.memory_space<hbm>>) dst(%arg6 : memref<16x2048xf32, #tpu.memory_space<vmem>>)
    %add3A_113 = arith.constant 80 : i32
    %add3A_114 = arith.addi %mul3A_2, %add3A_113 : i32
    %dma_start3A_115 = arith.constant 0 : i32
    %dma_start3A_116 = tpu.memref_slice %arg3[%add3A_114, %dma_start3A_115] : memref<16384x2048xf32, #tpu.memory_space<hbm>> -> memref<16x2048xf32, #tpu.memory_space<hbm>>
    %dma_start3A_117 = arith.constant 0 : i32
    %dma_start3A_118 = tpu.memref_slice %arg3[%add3A_114, %dma_start3A_117] : memref<16384x2048xf32, #tpu.memory_space<hbm>> -> memref<16x2048xf32, #tpu.memory_space<hbm>>
    tpu.enqueue_dma source(%arg6 : memref<16x2048xf32, #tpu.memory_space<vmem>>) target(%dma_start3A_118 : memref<16x2048xf32, #tpu.memory_space<hbm>>) target_semaphore(%arg12 : memref<!tpu.dma_semaphore, #tpu.memory_space<semaphore_mem>>)
    %dma_wait3A_119 = arith.constant 0 : i32
    %dma_wait3A_120 = tpu.memref_slice %arg3[%add3A_94, %dma_wait3A_119] : memref<16384x2048xf32, #tpu.memory_space<hbm>> -> memref<16x2048xf32, #tpu.memory_space<hbm>>
    %dma_wait3A_121 = arith.constant 0 : i32
    %dma_wait3A_122 = tpu.memref_slice %arg3[%add3A_94, %dma_wait3A_121] : memref<16384x2048xf32, #tpu.memory_space<hbm>> -> memref<16x2048xf32, #tpu.memory_space<hbm>>
    tpu.wait_dma2 semaphore(%arg11 : memref<!tpu.dma_semaphore, #tpu.memory_space<semaphore_mem>>) src(%arg5 : memref<16x2048xf32, #tpu.memory_space<vmem>>) dst(%dma_wait3A_122 : memref<16x2048xf32, #tpu.memory_space<hbm>>)
    %add3A_123 = arith.constant 112 : i32
    %add3A_124 = arith.addi %mul3A_2, %add3A_123 : i32
    %dma_start3A_125 = arith.constant 0 : i32
    %dma_start3A_126 = tpu.memref_slice %arg2[%add3A_124, %dma_start3A_125] : memref<16384x2048xf32, #tpu.memory_space<hbm>> -> memref<16x2048xf32, #tpu.memory_space<hbm>>
    %dma_start3A_127 = arith.constant 0 : i32
    %dma_start3A_128 = tpu.memref_slice %arg2[%add3A_124, %dma_start3A_127] : memref<16384x2048xf32, #tpu.memory_space<hbm>> -> memref<16x2048xf32, #tpu.memory_space<hbm>>
    tpu.enqueue_dma source(%dma_start3A_128 : memref<16x2048xf32, #tpu.memory_space<hbm>>) target(%arg5 : memref<16x2048xf32, #tpu.memory_space<vmem>>) target_semaphore(%arg8 : memref<!tpu.dma_semaphore, #tpu.memory_space<semaphore_mem>>)
    %dma_wait3A_129 = arith.constant 0 : i32
    %dma_wait3A_130 = tpu.memref_slice %arg2[%add3A_104, %dma_wait3A_129] : memref<16384x2048xf32, #tpu.memory_space<hbm>> -> memref<16x2048xf32, #tpu.memory_space<hbm>>
    %dma_wait3A_131 = arith.constant 0 : i32
    %dma_wait3A_132 = tpu.memref_slice %arg2[%add3A_104, %dma_wait3A_131] : memref<16384x2048xf32, #tpu.memory_space<hbm>> -> memref<16x2048xf32, #tpu.memory_space<hbm>>
    tpu.wait_dma2 semaphore(%arg7 : memref<!tpu.dma_semaphore, #tpu.memory_space<semaphore_mem>>) src(%dma_wait3A_132 : memref<16x2048xf32, #tpu.memory_space<hbm>>) dst(%arg4 : memref<16x2048xf32, #tpu.memory_space<vmem>>)
    %add3A_133 = arith.constant 96 : i32
    %add3A_134 = arith.addi %mul3A_2, %add3A_133 : i32
    %dma_start3A_135 = arith.constant 0 : i32
    %dma_start3A_136 = tpu.memref_slice %arg3[%add3A_134, %dma_start3A_135] : memref<16384x2048xf32, #tpu.memory_space<hbm>> -> memref<16x2048xf32, #tpu.memory_space<hbm>>
    %dma_start3A_137 = arith.constant 0 : i32
    %dma_start3A_138 = tpu.memref_slice %arg3[%add3A_134, %dma_start3A_137] : memref<16384x2048xf32, #tpu.memory_space<hbm>> -> memref<16x2048xf32, #tpu.memory_space<hbm>>
    tpu.enqueue_dma source(%arg4 : memref<16x2048xf32, #tpu.memory_space<vmem>>) target(%dma_start3A_138 : memref<16x2048xf32, #tpu.memory_space<hbm>>) target_semaphore(%arg10 : memref<!tpu.dma_semaphore, #tpu.memory_space<semaphore_mem>>)
    %dma_wait3A_139 = arith.constant 0 : i32
    %dma_wait3A_140 = tpu.memref_slice %arg3[%add3A_114, %dma_wait3A_139] : memref<16384x2048xf32, #tpu.memory_space<hbm>> -> memref<16x2048xf32, #tpu.memory_space<hbm>>
    %dma_wait3A_141 = arith.constant 0 : i32
    %dma_wait3A_142 = tpu.memref_slice %arg3[%add3A_114, %dma_wait3A_141] : memref<16384x2048xf32, #tpu.memory_space<hbm>> -> memref<16x2048xf32, #tpu.memory_space<hbm>>
    tpu.wait_dma2 semaphore(%arg12 : memref<!tpu.dma_semaphore, #tpu.memory_space<semaphore_mem>>) src(%arg6 : memref<16x2048xf32, #tpu.memory_space<vmem>>) dst(%dma_wait3A_142 : memref<16x2048xf32, #tpu.memory_space<hbm>>)
    %add3A_143 = arith.constant 128 : i32
    %add3A_144 = arith.addi %mul3A_2, %add3A_143 : i32
    %dma_start3A_145 = arith.constant 0 : i32
    %dma_start3A_146 = tpu.memref_slice %arg2[%add3A_144, %dma_start3A_145] : memref<16384x2048xf32, #tpu.memory_space<hbm>> -> memref<16x2048xf32, #tpu.memory_space<hbm>>
    %dma_start3A_147 = arith.constant 0 : i32
    %dma_start3A_148 = tpu.memref_slice %arg2[%add3A_144, %dma_start3A_147] : memref<16384x2048xf32, #tpu.memory_space<hbm>> -> memref<16x2048xf32, #tpu.memory_space<hbm>>
    tpu.enqueue_dma source(%dma_start3A_148 : memref<16x2048xf32, #tpu.memory_space<hbm>>) target(%arg6 : memref<16x2048xf32, #tpu.memory_space<vmem>>) target_semaphore(%arg9 : memref<!tpu.dma_semaphore, #tpu.memory_space<semaphore_mem>>)
    %dma_wait3A_149 = arith.constant 0 : i32
    %dma_wait3A_150 = tpu.memref_slice %arg2[%add3A_124, %dma_wait3A_149] : memref<16384x2048xf32, #tpu.memory_space<hbm>> -> memref<16x2048xf32, #tpu.memory_space<hbm>>
    %dma_wait3A_151 = arith.constant 0 : i32
    %dma_wait3A_152 = tpu.memref_slice %arg2[%add3A_124, %dma_wait3A_151] : memref<16384x2048xf32, #tpu.memory_space<hbm>> -> memref<16x2048xf32, #tpu.memory_space<hbm>>
    tpu.wait_dma2 semaphore(%arg8 : memref<!tpu.dma_semaphore, #tpu.memory_space<semaphore_mem>>) src(%dma_wait3A_152 : memref<16x2048xf32, #tpu.memory_space<hbm>>) dst(%arg5 : memref<16x2048xf32, #tpu.memory_space<vmem>>)
    %add3A_153 = arith.constant 112 : i32
    %add3A_154 = arith.addi %mul3A_2, %add3A_153 : i32
    %dma_start3A_155 = arith.constant 0 : i32
    %dma_start3A_156 = tpu.memref_slice %arg3[%add3A_154, %dma_start3A_155] : memref<16384x2048xf32, #tpu.memory_space<hbm>> -> memref<16x2048xf32, #tpu.memory_space<hbm>>
    %dma_start3A_157 = arith.constant 0 : i32
    %dma_start3A_158 = tpu.memref_slice %arg3[%add3A_154, %dma_start3A_157] : memref<16384x2048xf32, #tpu.memory_space<hbm>> -> memref<16x2048xf32, #tpu.memory_space<hbm>>
    tpu.enqueue_dma source(%arg5 : memref<16x2048xf32, #tpu.memory_space<vmem>>) target(%dma_start3A_158 : memref<16x2048xf32, #tpu.memory_space<hbm>>) target_semaphore(%arg11 : memref<!tpu.dma_semaphore, #tpu.memory_space<semaphore_mem>>)
    %dma_wait3A_159 = arith.constant 0 : i32
    %dma_wait3A_160 = tpu.memref_slice %arg3[%add3A_134, %dma_wait3A_159] : memref<16384x2048xf32, #tpu.memory_space<hbm>> -> memref<16x2048xf32, #tpu.memory_space<hbm>>
    %dma_wait3A_161 = arith.constant 0 : i32
    %dma_wait3A_162 = tpu.memref_slice %arg3[%add3A_134, %dma_wait3A_161] : memref<16384x2048xf32, #tpu.memory_space<hbm>> -> memref<16x2048xf32, #tpu.memory_space<hbm>>
    tpu.wait_dma2 semaphore(%arg10 : memref<!tpu.dma_semaphore, #tpu.memory_space<semaphore_mem>>) src(%arg4 : memref<16x2048xf32, #tpu.memory_space<vmem>>) dst(%dma_wait3A_162 : memref<16x2048xf32, #tpu.memory_space<hbm>>)
    %add3A_163 = arith.constant 144 : i32
    %add3A_164 = arith.addi %mul3A_2, %add3A_163 : i32
    %dma_start3A_165 = arith.constant 0 : i32
    %dma_start3A_166 = tpu.memref_slice %arg2[%add3A_164, %dma_start3A_165] : memref<16384x2048xf32, #tpu.memory_space<hbm>> -> memref<16x2048xf32, #tpu.memory_space<hbm>>
    %dma_start3A_167 = arith.constant 0 : i32
    %dma_start3A_168 = tpu.memref_slice %arg2[%add3A_164, %dma_start3A_167] : memref<16384x2048xf32, #tpu.memory_space<hbm>> -> memref<16x2048xf32, #tpu.memory_space<hbm>>
    tpu.enqueue_dma source(%dma_start3A_168 : memref<16x2048xf32, #tpu.memory_space<hbm>>) target(%arg4 : memref<16x2048xf32, #tpu.memory_space<vmem>>) target_semaphore(%arg7 : memref<!tpu.dma_semaphore, #tpu.memory_space<semaphore_mem>>)
    %dma_wait3A_169 = arith.constant 0 : i32
    %dma_wait3A_170 = tpu.memref_slice %arg2[%add3A_144, %dma_wait3A_169] : memref<16384x2048xf32, #tpu.memory_space<hbm>> -> memref<16x2048xf32, #tpu.memory_space<hbm>>
    %dma_wait3A_171 = arith.constant 0 : i32
    %dma_wait3A_172 = tpu.memref_slice %arg2[%add3A_144, %dma_wait3A_171] : memref<16384x2048xf32, #tpu.memory_space<hbm>> -> memref<16x2048xf32, #tpu.memory_space<hbm>>
    tpu.wait_dma2 semaphore(%arg9 : memref<!tpu.dma_semaphore, #tpu.memory_space<semaphore_mem>>) src(%dma_wait3A_172 : memref<16x2048xf32, #tpu.memory_space<hbm>>) dst(%arg6 : memref<16x2048xf32, #tpu.memory_space<vmem>>)
    %add3A_173 = arith.constant 128 : i32
    %add3A_174 = arith.addi %mul3A_2, %add3A_173 : i32
    %dma_start3A_175 = arith.constant 0 : i32
    %dma_start3A_176 = tpu.memref_slice %arg3[%add3A_174, %dma_start3A_175] : memref<16384x2048xf32, #tpu.memory_space<hbm>> -> memref<16x2048xf32, #tpu.memory_space<hbm>>
    %dma_start3A_177 = arith.constant 0 : i32
    %dma_start3A_178 = tpu.memref_slice %arg3[%add3A_174, %dma_start3A_177] : memref<16384x2048xf32, #tpu.memory_space<hbm>> -> memref<16x2048xf32, #tpu.memory_space<hbm>>
    tpu.enqueue_dma source(%arg6 : memref<16x2048xf32, #tpu.memory_space<vmem>>) target(%dma_start3A_178 : memref<16x2048xf32, #tpu.memory_space<hbm>>) target_semaphore(%arg12 : memref<!tpu.dma_semaphore, #tpu.memory_space<semaphore_mem>>)
    %dma_wait3A_179 = arith.constant 0 : i32
    %dma_wait3A_180 = tpu.memref_slice %arg3[%add3A_154, %dma_wait3A_179] : memref<16384x2048xf32, #tpu.memory_space<hbm>> -> memref<16x2048xf32, #tpu.memory_space<hbm>>
    %dma_wait3A_181 = arith.constant 0 : i32
    %dma_wait3A_182 = tpu.memref_slice %arg3[%add3A_154, %dma_wait3A_181] : memref<16384x2048xf32, #tpu.memory_space<hbm>> -> memref<16x2048xf32, #tpu.memory_space<hbm>>
    tpu.wait_dma2 semaphore(%arg11 : memref<!tpu.dma_semaphore, #tpu.memory_space<semaphore_mem>>) src(%arg5 : memref<16x2048xf32, #tpu.memory_space<vmem>>) dst(%dma_wait3A_182 : memref<16x2048xf32, #tpu.memory_space<hbm>>)
    %add3A_183 = arith.constant 160 : i32
    %add3A_184 = arith.addi %mul3A_2, %add3A_183 : i32
    %dma_start3A_185 = arith.constant 0 : i32
    %dma_start3A_186 = tpu.memref_slice %arg2[%add3A_184, %dma_start3A_185] : memref<16384x2048xf32, #tpu.memory_space<hbm>> -> memref<16x2048xf32, #tpu.memory_space<hbm>>
    %dma_start3A_187 = arith.constant 0 : i32
    %dma_start3A_188 = tpu.memref_slice %arg2[%add3A_184, %dma_start3A_187] : memref<16384x2048xf32, #tpu.memory_space<hbm>> -> memref<16x2048xf32, #tpu.memory_space<hbm>>
    tpu.enqueue_dma source(%dma_start3A_188 : memref<16x2048xf32, #tpu.memory_space<hbm>>) target(%arg5 : memref<16x2048xf32, #tpu.memory_space<vmem>>) target_semaphore(%arg8 : memref<!tpu.dma_semaphore, #tpu.memory_space<semaphore_mem>>)
    %dma_wait3A_189 = arith.constant 0 : i32
    %dma_wait3A_190 = tpu.memref_slice %arg2[%add3A_164, %dma_wait3A_189] : memref<16384x2048xf32, #tpu.memory_space<hbm>> -> memref<16x2048xf32, #tpu.memory_space<hbm>>
    %dma_wait3A_191 = arith.constant 0 : i32
    %dma_wait3A_192 = tpu.memref_slice %arg2[%add3A_164, %dma_wait3A_191] : memref<16384x2048xf32, #tpu.memory_space<hbm>> -> memref<16x2048xf32, #tpu.memory_space<hbm>>
    tpu.wait_dma2 semaphore(%arg7 : memref<!tpu.dma_semaphore, #tpu.memory_space<semaphore_mem>>) src(%dma_wait3A_192 : memref<16x2048xf32, #tpu.memory_space<hbm>>) dst(%arg4 : memref<16x2048xf32, #tpu.memory_space<vmem>>)
    %add3A_193 = arith.constant 144 : i32
    %add3A_194 = arith.addi %mul3A_2, %add3A_193 : i32
    %dma_start3A_195 = arith.constant 0 : i32
    %dma_start3A_196 = tpu.memref_slice %arg3[%add3A_194, %dma_start3A_195] : memref<16384x2048xf32, #tpu.memory_space<hbm>> -> memref<16x2048xf32, #tpu.memory_space<hbm>>
    %dma_start3A_197 = arith.constant 0 : i32
    %dma_start3A_198 = tpu.memref_slice %arg3[%add3A_194, %dma_start3A_197] : memref<16384x2048xf32, #tpu.memory_space<hbm>> -> memref<16x2048xf32, #tpu.memory_space<hbm>>
    tpu.enqueue_dma source(%arg4 : memref<16x2048xf32, #tpu.memory_space<vmem>>) target(%dma_start3A_198 : memref<16x2048xf32, #tpu.memory_space<hbm>>) target_semaphore(%arg10 : memref<!tpu.dma_semaphore, #tpu.memory_space<semaphore_mem>>)
    %dma_wait3A_199 = arith.constant 0 : i32
    %dma_wait3A_200 = tpu.memref_slice %arg3[%add3A_174, %dma_wait3A_199] : memref<16384x2048xf32, #tpu.memory_space<hbm>> -> memref<16x2048xf32, #tpu.memory_space<hbm>>
    %dma_wait3A_201 = arith.constant 0 : i32
    %dma_wait3A_202 = tpu.memref_slice %arg3[%add3A_174, %dma_wait3A_201] : memref<16384x2048xf32, #tpu.memory_space<hbm>> -> memref<16x2048xf32, #tpu.memory_space<hbm>>
    tpu.wait_dma2 semaphore(%arg12 : memref<!tpu.dma_semaphore, #tpu.memory_space<semaphore_mem>>) src(%arg6 : memref<16x2048xf32, #tpu.memory_space<vmem>>) dst(%dma_wait3A_202 : memref<16x2048xf32, #tpu.memory_space<hbm>>)
    %add3A_203 = arith.constant 176 : i32
    %add3A_204 = arith.addi %mul3A_2, %add3A_203 : i32
    %dma_start3A_205 = arith.constant 0 : i32
    %dma_start3A_206 = tpu.memref_slice %arg2[%add3A_204, %dma_start3A_205] : memref<16384x2048xf32, #tpu.memory_space<hbm>> -> memref<16x2048xf32, #tpu.memory_space<hbm>>
    %dma_start3A_207 = arith.constant 0 : i32
    %dma_start3A_208 = tpu.memref_slice %arg2[%add3A_204, %dma_start3A_207] : memref<16384x2048xf32, #tpu.memory_space<hbm>> -> memref<16x2048xf32, #tpu.memory_space<hbm>>
    tpu.enqueue_dma source(%dma_start3A_208 : memref<16x2048xf32, #tpu.memory_space<hbm>>) target(%arg6 : memref<16x2048xf32, #tpu.memory_space<vmem>>) target_semaphore(%arg9 : memref<!tpu.dma_semaphore, #tpu.memory_space<semaphore_mem>>)
    %dma_wait3A_209 = arith.constant 0 : i32
    %dma_wait3A_210 = tpu.memref_slice %arg2[%add3A_184, %dma_wait3A_209] : memref<16384x2048xf32, #tpu.memory_space<hbm>> -> memref<16x2048xf32, #tpu.memory_space<hbm>>
    %dma_wait3A_211 = arith.constant 0 : i32
    %dma_wait3A_212 = tpu.memref_slice %arg2[%add3A_184, %dma_wait3A_211] : memref<16384x2048xf32, #tpu.memory_space<hbm>> -> memref<16x2048xf32, #tpu.memory_space<hbm>>
    tpu.wait_dma2 semaphore(%arg8 : memref<!tpu.dma_semaphore, #tpu.memory_space<semaphore_mem>>) src(%dma_wait3A_212 : memref<16x2048xf32, #tpu.memory_space<hbm>>) dst(%arg5 : memref<16x2048xf32, #tpu.memory_space<vmem>>)
    %add3A_213 = arith.constant 160 : i32
    %add3A_214 = arith.addi %mul3A_2, %add3A_213 : i32
    %dma_start3A_215 = arith.constant 0 : i32
    %dma_start3A_216 = tpu.memref_slice %arg3[%add3A_214, %dma_start3A_215] : memref<16384x2048xf32, #tpu.memory_space<hbm>> -> memref<16x2048xf32, #tpu.memory_space<hbm>>
    %dma_start3A_217 = arith.constant 0 : i32
    %dma_start3A_218 = tpu.memref_slice %arg3[%add3A_214, %dma_start3A_217] : memref<16384x2048xf32, #tpu.memory_space<hbm>> -> memref<16x2048xf32, #tpu.memory_space<hbm>>
    tpu.enqueue_dma source(%arg5 : memref<16x2048xf32, #tpu.memory_space<vmem>>) target(%dma_start3A_218 : memref<16x2048xf32, #tpu.memory_space<hbm>>) target_semaphore(%arg11 : memref<!tpu.dma_semaphore, #tpu.memory_space<semaphore_mem>>)
    %dma_wait3A_219 = arith.constant 0 : i32
    %dma_wait3A_220 = tpu.memref_slice %arg3[%add3A_194, %dma_wait3A_219] : memref<16384x2048xf32, #tpu.memory_space<hbm>> -> memref<16x2048xf32, #tpu.memory_space<hbm>>
    %dma_wait3A_221 = arith.constant 0 : i32
    %dma_wait3A_222 = tpu.memref_slice %arg3[%add3A_194, %dma_wait3A_221] : memref<16384x2048xf32, #tpu.memory_space<hbm>> -> memref<16x2048xf32, #tpu.memory_space<hbm>>
    tpu.wait_dma2 semaphore(%arg10 : memref<!tpu.dma_semaphore, #tpu.memory_space<semaphore_mem>>) src(%arg4 : memref<16x2048xf32, #tpu.memory_space<vmem>>) dst(%dma_wait3A_222 : memref<16x2048xf32, #tpu.memory_space<hbm>>)
    %add3A_223 = arith.constant 192 : i32
    %add3A_224 = arith.addi %mul3A_2, %add3A_223 : i32
    %dma_start3A_225 = arith.constant 0 : i32
    %dma_start3A_226 = tpu.memref_slice %arg2[%add3A_224, %dma_start3A_225] : memref<16384x2048xf32, #tpu.memory_space<hbm>> -> memref<16x2048xf32, #tpu.memory_space<hbm>>
    %dma_start3A_227 = arith.constant 0 : i32
    %dma_start3A_228 = tpu.memref_slice %arg2[%add3A_224, %dma_start3A_227] : memref<16384x2048xf32, #tpu.memory_space<hbm>> -> memref<16x2048xf32, #tpu.memory_space<hbm>>
    tpu.enqueue_dma source(%dma_start3A_228 : memref<16x2048xf32, #tpu.memory_space<hbm>>) target(%arg4 : memref<16x2048xf32, #tpu.memory_space<vmem>>) target_semaphore(%arg7 : memref<!tpu.dma_semaphore, #tpu.memory_space<semaphore_mem>>)
    %dma_wait3A_229 = arith.constant 0 : i32
    %dma_wait3A_230 = tpu.memref_slice %arg2[%add3A_204, %dma_wait3A_229] : memref<16384x2048xf32, #tpu.memory_space<hbm>> -> memref<16x2048xf32, #tpu.memory_space<hbm>>
    %dma_wait3A_231 = arith.constant 0 : i32
    %dma_wait3A_232 = tpu.memref_slice %arg2[%add3A_204, %dma_wait3A_231] : memref<16384x2048xf32, #tpu.memory_space<hbm>> -> memref<16x2048xf32, #tpu.memory_space<hbm>>
    tpu.wait_dma2 semaphore(%arg9 : memref<!tpu.dma_semaphore, #tpu.memory_space<semaphore_mem>>) src(%dma_wait3A_232 : memref<16x2048xf32, #tpu.memory_space<hbm>>) dst(%arg6 : memref<16x2048xf32, #tpu.memory_space<vmem>>)
    %add3A_233 = arith.constant 176 : i32
    %add3A_234 = arith.addi %mul3A_2, %add3A_233 : i32
    %dma_start3A_235 = arith.constant 0 : i32
    %dma_start3A_236 = tpu.memref_slice %arg3[%add3A_234, %dma_start3A_235] : memref<16384x2048xf32, #tpu.memory_space<hbm>> -> memref<16x2048xf32, #tpu.memory_space<hbm>>
    %dma_start3A_237 = arith.constant 0 : i32
    %dma_start3A_238 = tpu.memref_slice %arg3[%add3A_234, %dma_start3A_237] : memref<16384x2048xf32, #tpu.memory_space<hbm>> -> memref<16x2048xf32, #tpu.memory_space<hbm>>
    tpu.enqueue_dma source(%arg6 : memref<16x2048xf32, #tpu.memory_space<vmem>>) target(%dma_start3A_238 : memref<16x2048xf32, #tpu.memory_space<hbm>>) target_semaphore(%arg12 : memref<!tpu.dma_semaphore, #tpu.memory_space<semaphore_mem>>)
    %dma_wait3A_239 = arith.constant 0 : i32
    %dma_wait3A_240 = tpu.memref_slice %arg3[%add3A_214, %dma_wait3A_239] : memref<16384x2048xf32, #tpu.memory_space<hbm>> -> memref<16x2048xf32, #tpu.memory_space<hbm>>
    %dma_wait3A_241 = arith.constant 0 : i32
    %dma_wait3A_242 = tpu.memref_slice %arg3[%add3A_214, %dma_wait3A_241] : memref<16384x2048xf32, #tpu.memory_space<hbm>> -> memref<16x2048xf32, #tpu.memory_space<hbm>>
    tpu.wait_dma2 semaphore(%arg11 : memref<!tpu.dma_semaphore, #tpu.memory_space<semaphore_mem>>) src(%arg5 : memref<16x2048xf32, #tpu.memory_space<vmem>>) dst(%dma_wait3A_242 : memref<16x2048xf32, #tpu.memory_space<hbm>>)
    %add3A_243 = arith.constant 208 : i32
    %add3A_244 = arith.addi %mul3A_2, %add3A_243 : i32
    %dma_start3A_245 = arith.constant 0 : i32
    %dma_start3A_246 = tpu.memref_slice %arg2[%add3A_244, %dma_start3A_245] : memref<16384x2048xf32, #tpu.memory_space<hbm>> -> memref<16x2048xf32, #tpu.memory_space<hbm>>
    %dma_start3A_247 = arith.constant 0 : i32
    %dma_start3A_248 = tpu.memref_slice %arg2[%add3A_244, %dma_start3A_247] : memref<16384x2048xf32, #tpu.memory_space<hbm>> -> memref<16x2048xf32, #tpu.memory_space<hbm>>
    tpu.enqueue_dma source(%dma_start3A_248 : memref<16x2048xf32, #tpu.memory_space<hbm>>) target(%arg5 : memref<16x2048xf32, #tpu.memory_space<vmem>>) target_semaphore(%arg8 : memref<!tpu.dma_semaphore, #tpu.memory_space<semaphore_mem>>)
    %dma_wait3A_249 = arith.constant 0 : i32
    %dma_wait3A_250 = tpu.memref_slice %arg2[%add3A_224, %dma_wait3A_249] : memref<16384x2048xf32, #tpu.memory_space<hbm>> -> memref<16x2048xf32, #tpu.memory_space<hbm>>
    %dma_wait3A_251 = arith.constant 0 : i32
    %dma_wait3A_252 = tpu.memref_slice %arg2[%add3A_224, %dma_wait3A_251] : memref<16384x2048xf32, #tpu.memory_space<hbm>> -> memref<16x2048xf32, #tpu.memory_space<hbm>>
    tpu.wait_dma2 semaphore(%arg7 : memref<!tpu.dma_semaphore, #tpu.memory_space<semaphore_mem>>) src(%dma_wait3A_252 : memref<16x2048xf32, #tpu.memory_space<hbm>>) dst(%arg4 : memref<16x2048xf32, #tpu.memory_space<vmem>>)
    %add3A_253 = arith.constant 192 : i32
    %add3A_254 = arith.addi %mul3A_2, %add3A_253 : i32
    %dma_start3A_255 = arith.constant 0 : i32
    %dma_start3A_256 = tpu.memref_slice %arg3[%add3A_254, %dma_start3A_255] : memref<16384x2048xf32, #tpu.memory_space<hbm>> -> memref<16x2048xf32, #tpu.memory_space<hbm>>
    %dma_start3A_257 = arith.constant 0 : i32
    %dma_start3A_258 = tpu.memref_slice %arg3[%add3A_254, %dma_start3A_257] : memref<16384x2048xf32, #tpu.memory_space<hbm>> -> memref<16x2048xf32, #tpu.memory_space<hbm>>
    tpu.enqueue_dma source(%arg4 : memref<16x2048xf32, #tpu.memory_space<vmem>>) target(%dma_start3A_258 : memref<16x2048xf32, #tpu.memory_space<hbm>>) target_semaphore(%arg10 : memref<!tpu.dma_semaphore, #tpu.memory_space<semaphore_mem>>)
    %dma_wait3A_259 = arith.constant 0 : i32
    %dma_wait3A_260 = tpu.memref_slice %arg3[%add3A_234, %dma_wait3A_259] : memref<16384x2048xf32, #tpu.memory_space<hbm>> -> memref<16x2048xf32, #tpu.memory_space<hbm>>
    %dma_wait3A_261 = arith.constant 0 : i32
    %dma_wait3A_262 = tpu.memref_slice %arg3[%add3A_234, %dma_wait3A_261] : memref<16384x2048xf32, #tpu.memory_space<hbm>> -> memref<16x2048xf32, #tpu.memory_space<hbm>>
    tpu.wait_dma2 semaphore(%arg12 : memref<!tpu.dma_semaphore, #tpu.memory_space<semaphore_mem>>) src(%arg6 : memref<16x2048xf32, #tpu.memory_space<vmem>>) dst(%dma_wait3A_262 : memref<16x2048xf32, #tpu.memory_space<hbm>>)
    %add3A_263 = arith.constant 224 : i32
    %add3A_264 = arith.addi %mul3A_2, %add3A_263 : i32
    %dma_start3A_265 = arith.constant 0 : i32
    %dma_start3A_266 = tpu.memref_slice %arg2[%add3A_264, %dma_start3A_265] : memref<16384x2048xf32, #tpu.memory_space<hbm>> -> memref<16x2048xf32, #tpu.memory_space<hbm>>
    %dma_start3A_267 = arith.constant 0 : i32
    %dma_start3A_268 = tpu.memref_slice %arg2[%add3A_264, %dma_start3A_267] : memref<16384x2048xf32, #tpu.memory_space<hbm>> -> memref<16x2048xf32, #tpu.memory_space<hbm>>
    tpu.enqueue_dma source(%dma_start3A_268 : memref<16x2048xf32, #tpu.memory_space<hbm>>) target(%arg6 : memref<16x2048xf32, #tpu.memory_space<vmem>>) target_semaphore(%arg9 : memref<!tpu.dma_semaphore, #tpu.memory_space<semaphore_mem>>)
    %dma_wait3A_269 = arith.constant 0 : i32
    %dma_wait3A_270 = tpu.memref_slice %arg2[%add3A_244, %dma_wait3A_269] : memref<16384x2048xf32, #tpu.memory_space<hbm>> -> memref<16x2048xf32, #tpu.memory_space<hbm>>
    %dma_wait3A_271 = arith.constant 0 : i32
    %dma_wait3A_272 = tpu.memref_slice %arg2[%add3A_244, %dma_wait3A_271] : memref<16384x2048xf32, #tpu.memory_space<hbm>> -> memref<16x2048xf32, #tpu.memory_space<hbm>>
    tpu.wait_dma2 semaphore(%arg8 : memref<!tpu.dma_semaphore, #tpu.memory_space<semaphore_mem>>) src(%dma_wait3A_272 : memref<16x2048xf32, #tpu.memory_space<hbm>>) dst(%arg5 : memref<16x2048xf32, #tpu.memory_space<vmem>>)
    %add3A_273 = arith.constant 208 : i32
    %add3A_274 = arith.addi %mul3A_2, %add3A_273 : i32
    %dma_start3A_275 = arith.constant 0 : i32
    %dma_start3A_276 = tpu.memref_slice %arg3[%add3A_274, %dma_start3A_275] : memref<16384x2048xf32, #tpu.memory_space<hbm>> -> memref<16x2048xf32, #tpu.memory_space<hbm>>
    %dma_start3A_277 = arith.constant 0 : i32
    %dma_start3A_278 = tpu.memref_slice %arg3[%add3A_274, %dma_start3A_277] : memref<16384x2048xf32, #tpu.memory_space<hbm>> -> memref<16x2048xf32, #tpu.memory_space<hbm>>
    tpu.enqueue_dma source(%arg5 : memref<16x2048xf32, #tpu.memory_space<vmem>>) target(%dma_start3A_278 : memref<16x2048xf32, #tpu.memory_space<hbm>>) target_semaphore(%arg11 : memref<!tpu.dma_semaphore, #tpu.memory_space<semaphore_mem>>)
    %dma_wait3A_279 = arith.constant 0 : i32
    %dma_wait3A_280 = tpu.memref_slice %arg3[%add3A_254, %dma_wait3A_279] : memref<16384x2048xf32, #tpu.memory_space<hbm>> -> memref<16x2048xf32, #tpu.memory_space<hbm>>
    %dma_wait3A_281 = arith.constant 0 : i32
    %dma_wait3A_282 = tpu.memref_slice %arg3[%add3A_254, %dma_wait3A_281] : memref<16384x2048xf32, #tpu.memory_space<hbm>> -> memref<16x2048xf32, #tpu.memory_space<hbm>>
    tpu.wait_dma2 semaphore(%arg10 : memref<!tpu.dma_semaphore, #tpu.memory_space<semaphore_mem>>) src(%arg4 : memref<16x2048xf32, #tpu.memory_space<vmem>>) dst(%dma_wait3A_282 : memref<16x2048xf32, #tpu.memory_space<hbm>>)
    %add3A_283 = arith.constant 240 : i32
    %add3A_284 = arith.addi %mul3A_2, %add3A_283 : i32
    %dma_start3A_285 = arith.constant 0 : i32
    %dma_start3A_286 = tpu.memref_slice %arg2[%add3A_284, %dma_start3A_285] : memref<16384x2048xf32, #tpu.memory_space<hbm>> -> memref<16x2048xf32, #tpu.memory_space<hbm>>
    %dma_start3A_287 = arith.constant 0 : i32
    %dma_start3A_288 = tpu.memref_slice %arg2[%add3A_284, %dma_start3A_287] : memref<16384x2048xf32, #tpu.memory_space<hbm>> -> memref<16x2048xf32, #tpu.memory_space<hbm>>
    tpu.enqueue_dma source(%dma_start3A_288 : memref<16x2048xf32, #tpu.memory_space<hbm>>) target(%arg4 : memref<16x2048xf32, #tpu.memory_space<vmem>>) target_semaphore(%arg7 : memref<!tpu.dma_semaphore, #tpu.memory_space<semaphore_mem>>)
    %dma_wait3A_289 = arith.constant 0 : i32
    %dma_wait3A_290 = tpu.memref_slice %arg2[%add3A_264, %dma_wait3A_289] : memref<16384x2048xf32, #tpu.memory_space<hbm>> -> memref<16x2048xf32, #tpu.memory_space<hbm>>
    %dma_wait3A_291 = arith.constant 0 : i32
    %dma_wait3A_292 = tpu.memref_slice %arg2[%add3A_264, %dma_wait3A_291] : memref<16384x2048xf32, #tpu.memory_space<hbm>> -> memref<16x2048xf32, #tpu.memory_space<hbm>>
    tpu.wait_dma2 semaphore(%arg9 : memref<!tpu.dma_semaphore, #tpu.memory_space<semaphore_mem>>) src(%dma_wait3A_292 : memref<16x2048xf32, #tpu.memory_space<hbm>>) dst(%arg6 : memref<16x2048xf32, #tpu.memory_space<vmem>>)
    %add3A_293 = arith.constant 224 : i32
    %add3A_294 = arith.addi %mul3A_2, %add3A_293 : i32
    %dma_start3A_295 = arith.constant 0 : i32
    %dma_start3A_296 = tpu.memref_slice %arg3[%add3A_294, %dma_start3A_295] : memref<16384x2048xf32, #tpu.memory_space<hbm>> -> memref<16x2048xf32, #tpu.memory_space<hbm>>
    %dma_start3A_297 = arith.constant 0 : i32
    %dma_start3A_298 = tpu.memref_slice %arg3[%add3A_294, %dma_start3A_297] : memref<16384x2048xf32, #tpu.memory_space<hbm>> -> memref<16x2048xf32, #tpu.memory_space<hbm>>
    tpu.enqueue_dma source(%arg6 : memref<16x2048xf32, #tpu.memory_space<vmem>>) target(%dma_start3A_298 : memref<16x2048xf32, #tpu.memory_space<hbm>>) target_semaphore(%arg12 : memref<!tpu.dma_semaphore, #tpu.memory_space<semaphore_mem>>)
    %dma_wait3A_299 = arith.constant 0 : i32
    %dma_wait3A_300 = tpu.memref_slice %arg3[%add3A_274, %dma_wait3A_299] : memref<16384x2048xf32, #tpu.memory_space<hbm>> -> memref<16x2048xf32, #tpu.memory_space<hbm>>
    %dma_wait3A_301 = arith.constant 0 : i32
    %dma_wait3A_302 = tpu.memref_slice %arg3[%add3A_274, %dma_wait3A_301] : memref<16384x2048xf32, #tpu.memory_space<hbm>> -> memref<16x2048xf32, #tpu.memory_space<hbm>>
    tpu.wait_dma2 semaphore(%arg11 : memref<!tpu.dma_semaphore, #tpu.memory_space<semaphore_mem>>) src(%arg5 : memref<16x2048xf32, #tpu.memory_space<vmem>>) dst(%dma_wait3A_302 : memref<16x2048xf32, #tpu.memory_space<hbm>>)
    %add3A_303 = arith.constant 256 : i32
    %add3A_304 = arith.addi %mul3A_2, %add3A_303 : i32
    %dma_start3A_305 = arith.constant 0 : i32
    %dma_start3A_306 = tpu.memref_slice %arg2[%add3A_304, %dma_start3A_305] : memref<16384x2048xf32, #tpu.memory_space<hbm>> -> memref<16x2048xf32, #tpu.memory_space<hbm>>
    %dma_start3A_307 = arith.constant 0 : i32
    %dma_start3A_308 = tpu.memref_slice %arg2[%add3A_304, %dma_start3A_307] : memref<16384x2048xf32, #tpu.memory_space<hbm>> -> memref<16x2048xf32, #tpu.memory_space<hbm>>
    tpu.enqueue_dma source(%dma_start3A_308 : memref<16x2048xf32, #tpu.memory_space<hbm>>) target(%arg5 : memref<16x2048xf32, #tpu.memory_space<vmem>>) target_semaphore(%arg8 : memref<!tpu.dma_semaphore, #tpu.memory_space<semaphore_mem>>)
    %dma_wait3A_309 = arith.constant 0 : i32
    %dma_wait3A_310 = tpu.memref_slice %arg2[%add3A_284, %dma_wait3A_309] : memref<16384x2048xf32, #tpu.memory_space<hbm>> -> memref<16x2048xf32, #tpu.memory_space<hbm>>
    %dma_wait3A_311 = arith.constant 0 : i32
    %dma_wait3A_312 = tpu.memref_slice %arg2[%add3A_284, %dma_wait3A_311] : memref<16384x2048xf32, #tpu.memory_space<hbm>> -> memref<16x2048xf32, #tpu.memory_space<hbm>>
    tpu.wait_dma2 semaphore(%arg7 : memref<!tpu.dma_semaphore, #tpu.memory_space<semaphore_mem>>) src(%dma_wait3A_312 : memref<16x2048xf32, #tpu.memory_space<hbm>>) dst(%arg4 : memref<16x2048xf32, #tpu.memory_space<vmem>>)
    %add3A_313 = arith.constant 240 : i32
    %add3A_314 = arith.addi %mul3A_2, %add3A_313 : i32
    %dma_start3A_315 = arith.constant 0 : i32
    %dma_start3A_316 = tpu.memref_slice %arg3[%add3A_314, %dma_start3A_315] : memref<16384x2048xf32, #tpu.memory_space<hbm>> -> memref<16x2048xf32, #tpu.memory_space<hbm>>
    %dma_start3A_317 = arith.constant 0 : i32
    %dma_start3A_318 = tpu.memref_slice %arg3[%add3A_314, %dma_start3A_317] : memref<16384x2048xf32, #tpu.memory_space<hbm>> -> memref<16x2048xf32, #tpu.memory_space<hbm>>
    tpu.enqueue_dma source(%arg4 : memref<16x2048xf32, #tpu.memory_space<vmem>>) target(%dma_start3A_318 : memref<16x2048xf32, #tpu.memory_space<hbm>>) target_semaphore(%arg10 : memref<!tpu.dma_semaphore, #tpu.memory_space<semaphore_mem>>)
    %dma_wait3A_319 = arith.constant 0 : i32
    %dma_wait3A_320 = tpu.memref_slice %arg3[%add3A_294, %dma_wait3A_319] : memref<16384x2048xf32, #tpu.memory_space<hbm>> -> memref<16x2048xf32, #tpu.memory_space<hbm>>
    %dma_wait3A_321 = arith.constant 0 : i32
    %dma_wait3A_322 = tpu.memref_slice %arg3[%add3A_294, %dma_wait3A_321] : memref<16384x2048xf32, #tpu.memory_space<hbm>> -> memref<16x2048xf32, #tpu.memory_space<hbm>>
    tpu.wait_dma2 semaphore(%arg12 : memref<!tpu.dma_semaphore, #tpu.memory_space<semaphore_mem>>) src(%arg6 : memref<16x2048xf32, #tpu.memory_space<vmem>>) dst(%dma_wait3A_322 : memref<16x2048xf32, #tpu.memory_space<hbm>>)
    %add3A_323 = arith.constant 272 : i32
    %add3A_324 = arith.addi %mul3A_2, %add3A_323 : i32
    %dma_start3A_325 = arith.constant 0 : i32
    %dma_start3A_326 = tpu.memref_slice %arg2[%add3A_324, %dma_start3A_325] : memref<16384x2048xf32, #tpu.memory_space<hbm>> -> memref<16x2048xf32, #tpu.memory_space<hbm>>
    %dma_start3A_327 = arith.constant 0 : i32
    %dma_start3A_328 = tpu.memref_slice %arg2[%add3A_324, %dma_start3A_327] : memref<16384x2048xf32, #tpu.memory_space<hbm>> -> memref<16x2048xf32, #tpu.memory_space<hbm>>
    tpu.enqueue_dma source(%dma_start3A_328 : memref<16x2048xf32, #tpu.memory_space<hbm>>) target(%arg6 : memref<16x2048xf32, #tpu.memory_space<vmem>>) target_semaphore(%arg9 : memref<!tpu.dma_semaphore, #tpu.memory_space<semaphore_mem>>)
    %dma_wait3A_329 = arith.constant 0 : i32
    %dma_wait3A_330 = tpu.memref_slice %arg2[%add3A_304, %dma_wait3A_329] : memref<16384x2048xf32, #tpu.memory_space<hbm>> -> memref<16x2048xf32, #tpu.memory_space<hbm>>
    %dma_wait3A_331 = arith.constant 0 : i32
    %dma_wait3A_332 = tpu.memref_slice %arg2[%add3A_304, %dma_wait3A_331] : memref<16384x2048xf32, #tpu.memory_space<hbm>> -> memref<16x2048xf32, #tpu.memory_space<hbm>>
    tpu.wait_dma2 semaphore(%arg8 : memref<!tpu.dma_semaphore, #tpu.memory_space<semaphore_mem>>) src(%dma_wait3A_332 : memref<16x2048xf32, #tpu.memory_space<hbm>>) dst(%arg5 : memref<16x2048xf32, #tpu.memory_space<vmem>>)
    %add3A_333 = arith.constant 256 : i32
    %add3A_334 = arith.addi %mul3A_2, %add3A_333 : i32
    %dma_start3A_335 = arith.constant 0 : i32
    %dma_start3A_336 = tpu.memref_slice %arg3[%add3A_334, %dma_start3A_335] : memref<16384x2048xf32, #tpu.memory_space<hbm>> -> memref<16x2048xf32, #tpu.memory_space<hbm>>
    %dma_start3A_337 = arith.constant 0 : i32
    %dma_start3A_338 = tpu.memref_slice %arg3[%add3A_334, %dma_start3A_337] : memref<16384x2048xf32, #tpu.memory_space<hbm>> -> memref<16x2048xf32, #tpu.memory_space<hbm>>
    tpu.enqueue_dma source(%arg5 : memref<16x2048xf32, #tpu.memory_space<vmem>>) target(%dma_start3A_338 : memref<16x2048xf32, #tpu.memory_space<hbm>>) target_semaphore(%arg11 : memref<!tpu.dma_semaphore, #tpu.memory_space<semaphore_mem>>)
    %dma_wait3A_339 = arith.constant 0 : i32
    %dma_wait3A_340 = tpu.memref_slice %arg3[%add3A_314, %dma_wait3A_339] : memref<16384x2048xf32, #tpu.memory_space<hbm>> -> memref<16x2048xf32, #tpu.memory_space<hbm>>
    %dma_wait3A_341 = arith.constant 0 : i32
    %dma_wait3A_342 = tpu.memref_slice %arg3[%add3A_314, %dma_wait3A_341] : memref<16384x2048xf32, #tpu.memory_space<hbm>> -> memref<16x2048xf32, #tpu.memory_space<hbm>>
    tpu.wait_dma2 semaphore(%arg10 : memref<!tpu.dma_semaphore, #tpu.memory_space<semaphore_mem>>) src(%arg4 : memref<16x2048xf32, #tpu.memory_space<vmem>>) dst(%dma_wait3A_342 : memref<16x2048xf32, #tpu.memory_space<hbm>>)
    %add3A_343 = arith.constant 288 : i32
    %add3A_344 = arith.addi %mul3A_2, %add3A_343 : i32
    %dma_start3A_345 = arith.constant 0 : i32
    %dma_start3A_346 = tpu.memref_slice %arg2[%add3A_344, %dma_start3A_345] : memref<16384x2048xf32, #tpu.memory_space<hbm>> -> memref<16x2048xf32, #tpu.memory_space<hbm>>
    %dma_start3A_347 = arith.constant 0 : i32
    %dma_start3A_348 = tpu.memref_slice %arg2[%add3A_344, %dma_start3A_347] : memref<16384x2048xf32, #tpu.memory_space<hbm>> -> memref<16x2048xf32, #tpu.memory_space<hbm>>
    tpu.enqueue_dma source(%dma_start3A_348 : memref<16x2048xf32, #tpu.memory_space<hbm>>) target(%arg4 : memref<16x2048xf32, #tpu.memory_space<vmem>>) target_semaphore(%arg7 : memref<!tpu.dma_semaphore, #tpu.memory_space<semaphore_mem>>)
    %dma_wait3A_349 = arith.constant 0 : i32
    %dma_wait3A_350 = tpu.memref_slice %arg2[%add3A_324, %dma_wait3A_349] : memref<16384x2048xf32, #tpu.memory_space<hbm>> -> memref<16x2048xf32, #tpu.memory_space<hbm>>
    %dma_wait3A_351 = arith.constant 0 : i32
    %dma_wait3A_352 = tpu.memref_slice %arg2[%add3A_324, %dma_wait3A_351] : memref<16384x2048xf32, #tpu.memory_space<hbm>> -> memref<16x2048xf32, #tpu.memory_space<hbm>>
    tpu.wait_dma2 semaphore(%arg9 : memref<!tpu.dma_semaphore, #tpu.memory_space<semaphore_mem>>) src(%dma_wait3A_352 : memref<16x2048xf32, #tpu.memory_space<hbm>>) dst(%arg6 : memref<16x2048xf32, #tpu.memory_space<vmem>>)
    %add3A_353 = arith.constant 272 : i32
    %add3A_354 = arith.addi %mul3A_2, %add3A_353 : i32
    %dma_start3A_355 = arith.constant 0 : i32
    %dma_start3A_356 = tpu.memref_slice %arg3[%add3A_354, %dma_start3A_355] : memref<16384x2048xf32, #tpu.memory_space<hbm>> -> memref<16x2048xf32, #tpu.memory_space<hbm>>
    %dma_start3A_357 = arith.constant 0 : i32
    %dma_start3A_358 = tpu.memref_slice %arg3[%add3A_354, %dma_start3A_357] : memref<16384x2048xf32, #tpu.memory_space<hbm>> -> memref<16x2048xf32, #tpu.memory_space<hbm>>
    tpu.enqueue_dma source(%arg6 : memref<16x2048xf32, #tpu.memory_space<vmem>>) target(%dma_start3A_358 : memref<16x2048xf32, #tpu.memory_space<hbm>>) target_semaphore(%arg12 : memref<!tpu.dma_semaphore, #tpu.memory_space<semaphore_mem>>)
    %dma_wait3A_359 = arith.constant 0 : i32
    %dma_wait3A_360 = tpu.memref_slice %arg3[%add3A_334, %dma_wait3A_359] : memref<16384x2048xf32, #tpu.memory_space<hbm>> -> memref<16x2048xf32, #tpu.memory_space<hbm>>
    %dma_wait3A_361 = arith.constant 0 : i32
    %dma_wait3A_362 = tpu.memref_slice %arg3[%add3A_334, %dma_wait3A_361] : memref<16384x2048xf32, #tpu.memory_space<hbm>> -> memref<16x2048xf32, #tpu.memory_space<hbm>>
    tpu.wait_dma2 semaphore(%arg11 : memref<!tpu.dma_semaphore, #tpu.memory_space<semaphore_mem>>) src(%arg5 : memref<16x2048xf32, #tpu.memory_space<vmem>>) dst(%dma_wait3A_362 : memref<16x2048xf32, #tpu.memory_space<hbm>>)
    %add3A_363 = arith.constant 304 : i32
    %add3A_364 = arith.addi %mul3A_2, %add3A_363 : i32
    %dma_start3A_365 = arith.constant 0 : i32
    %dma_start3A_366 = tpu.memref_slice %arg2[%add3A_364, %dma_start3A_365] : memref<16384x2048xf32, #tpu.memory_space<hbm>> -> memref<16x2048xf32, #tpu.memory_space<hbm>>
    %dma_start3A_367 = arith.constant 0 : i32
    %dma_start3A_368 = tpu.memref_slice %arg2[%add3A_364, %dma_start3A_367] : memref<16384x2048xf32, #tpu.memory_space<hbm>> -> memref<16x2048xf32, #tpu.memory_space<hbm>>
    tpu.enqueue_dma source(%dma_start3A_368 : memref<16x2048xf32, #tpu.memory_space<hbm>>) target(%arg5 : memref<16x2048xf32, #tpu.memory_space<vmem>>) target_semaphore(%arg8 : memref<!tpu.dma_semaphore, #tpu.memory_space<semaphore_mem>>)
    %dma_wait3A_369 = arith.constant 0 : i32
    %dma_wait3A_370 = tpu.memref_slice %arg2[%add3A_344, %dma_wait3A_369] : memref<16384x2048xf32, #tpu.memory_space<hbm>> -> memref<16x2048xf32, #tpu.memory_space<hbm>>
    %dma_wait3A_371 = arith.constant 0 : i32
    %dma_wait3A_372 = tpu.memref_slice %arg2[%add3A_344, %dma_wait3A_371] : memref<16384x2048xf32, #tpu.memory_space<hbm>> -> memref<16x2048xf32, #tpu.memory_space<hbm>>
    tpu.wait_dma2 semaphore(%arg7 : memref<!tpu.dma_semaphore, #tpu.memory_space<semaphore_mem>>) src(%dma_wait3A_372 : memref<16x2048xf32, #tpu.memory_space<hbm>>) dst(%arg4 : memref<16x2048xf32, #tpu.memory_space<vmem>>)
    %add3A_373 = arith.constant 288 : i32
    %add3A_374 = arith.addi %mul3A_2, %add3A_373 : i32
    %dma_start3A_375 = arith.constant 0 : i32
    %dma_start3A_376 = tpu.memref_slice %arg3[%add3A_374, %dma_start3A_375] : memref<16384x2048xf32, #tpu.memory_space<hbm>> -> memref<16x2048xf32, #tpu.memory_space<hbm>>
    %dma_start3A_377 = arith.constant 0 : i32
    %dma_start3A_378 = tpu.memref_slice %arg3[%add3A_374, %dma_start3A_377] : memref<16384x2048xf32, #tpu.memory_space<hbm>> -> memref<16x2048xf32, #tpu.memory_space<hbm>>
    tpu.enqueue_dma source(%arg4 : memref<16x2048xf32, #tpu.memory_space<vmem>>) target(%dma_start3A_378 : memref<16x2048xf32, #tpu.memory_space<hbm>>) target_semaphore(%arg10 : memref<!tpu.dma_semaphore, #tpu.memory_space<semaphore_mem>>)
    %dma_wait3A_379 = arith.constant 0 : i32
    %dma_wait3A_380 = tpu.memref_slice %arg3[%add3A_354, %dma_wait3A_379] : memref<16384x2048xf32, #tpu.memory_space<hbm>> -> memref<16x2048xf32, #tpu.memory_space<hbm>>
    %dma_wait3A_381 = arith.constant 0 : i32
    %dma_wait3A_382 = tpu.memref_slice %arg3[%add3A_354, %dma_wait3A_381] : memref<16384x2048xf32, #tpu.memory_space<hbm>> -> memref<16x2048xf32, #tpu.memory_space<hbm>>
    tpu.wait_dma2 semaphore(%arg12 : memref<!tpu.dma_semaphore, #tpu.memory_space<semaphore_mem>>) src(%arg6 : memref<16x2048xf32, #tpu.memory_space<vmem>>) dst(%dma_wait3A_382 : memref<16x2048xf32, #tpu.memory_space<hbm>>)
    %add3A_383 = arith.constant 320 : i32
    %add3A_384 = arith.addi %mul3A_2, %add3A_383 : i32
    %dma_start3A_385 = arith.constant 0 : i32
    %dma_start3A_386 = tpu.memref_slice %arg2[%add3A_384, %dma_start3A_385] : memref<16384x2048xf32, #tpu.memory_space<hbm>> -> memref<16x2048xf32, #tpu.memory_space<hbm>>
    %dma_start3A_387 = arith.constant 0 : i32
    %dma_start3A_388 = tpu.memref_slice %arg2[%add3A_384, %dma_start3A_387] : memref<16384x2048xf32, #tpu.memory_space<hbm>> -> memref<16x2048xf32, #tpu.memory_space<hbm>>
    tpu.enqueue_dma source(%dma_start3A_388 : memref<16x2048xf32, #tpu.memory_space<hbm>>) target(%arg6 : memref<16x2048xf32, #tpu.memory_space<vmem>>) target_semaphore(%arg9 : memref<!tpu.dma_semaphore, #tpu.memory_space<semaphore_mem>>)
    %dma_wait3A_389 = arith.constant 0 : i32
    %dma_wait3A_390 = tpu.memref_slice %arg2[%add3A_364, %dma_wait3A_389] : memref<16384x2048xf32, #tpu.memory_space<hbm>> -> memref<16x2048xf32, #tpu.memory_space<hbm>>
    %dma_wait3A_391 = arith.constant 0 : i32
    %dma_wait3A_392 = tpu.memref_slice %arg2[%add3A_364, %dma_wait3A_391] : memref<16384x2048xf32, #tpu.memory_space<hbm>> -> memref<16x2048xf32, #tpu.memory_space<hbm>>
    tpu.wait_dma2 semaphore(%arg8 : memref<!tpu.dma_semaphore, #tpu.memory_space<semaphore_mem>>) src(%dma_wait3A_392 : memref<16x2048xf32, #tpu.memory_space<hbm>>) dst(%arg5 : memref<16x2048xf32, #tpu.memory_space<vmem>>)
    %add3A_393 = arith.constant 304 : i32
    %add3A_394 = arith.addi %mul3A_2, %add3A_393 : i32
    %dma_start3A_395 = arith.constant 0 : i32
    %dma_start3A_396 = tpu.memref_slice %arg3[%add3A_394, %dma_start3A_395] : memref<16384x2048xf32, #tpu.memory_space<hbm>> -> memref<16x2048xf32, #tpu.memory_space<hbm>>
    %dma_start3A_397 = arith.constant 0 : i32
    %dma_start3A_398 = tpu.memref_slice %arg3[%add3A_394, %dma_start3A_397] : memref<16384x2048xf32, #tpu.memory_space<hbm>> -> memref<16x2048xf32, #tpu.memory_space<hbm>>
    tpu.enqueue_dma source(%arg5 : memref<16x2048xf32, #tpu.memory_space<vmem>>) target(%dma_start3A_398 : memref<16x2048xf32, #tpu.memory_space<hbm>>) target_semaphore(%arg11 : memref<!tpu.dma_semaphore, #tpu.memory_space<semaphore_mem>>)
    %dma_wait3A_399 = arith.constant 0 : i32
    %dma_wait3A_400 = tpu.memref_slice %arg3[%add3A_374, %dma_wait3A_399] : memref<16384x2048xf32, #tpu.memory_space<hbm>> -> memref<16x2048xf32, #tpu.memory_space<hbm>>
    %dma_wait3A_401 = arith.constant 0 : i32
    %dma_wait3A_402 = tpu.memref_slice %arg3[%add3A_374, %dma_wait3A_401] : memref<16384x2048xf32, #tpu.memory_space<hbm>> -> memref<16x2048xf32, #tpu.memory_space<hbm>>
    tpu.wait_dma2 semaphore(%arg10 : memref<!tpu.dma_semaphore, #tpu.memory_space<semaphore_mem>>) src(%arg4 : memref<16x2048xf32, #tpu.memory_space<vmem>>) dst(%dma_wait3A_402 : memref<16x2048xf32, #tpu.memory_space<hbm>>)
    %add3A_403 = arith.constant 336 : i32
    %add3A_404 = arith.addi %mul3A_2, %add3A_403 : i32
    %dma_start3A_405 = arith.constant 0 : i32
    %dma_start3A_406 = tpu.memref_slice %arg2[%add3A_404, %dma_start3A_405] : memref<16384x2048xf32, #tpu.memory_space<hbm>> -> memref<16x2048xf32, #tpu.memory_space<hbm>>
    %dma_start3A_407 = arith.constant 0 : i32
    %dma_start3A_408 = tpu.memref_slice %arg2[%add3A_404, %dma_start3A_407] : memref<16384x2048xf32, #tpu.memory_space<hbm>> -> memref<16x2048xf32, #tpu.memory_space<hbm>>
    tpu.enqueue_dma source(%dma_start3A_408 : memref<16x2048xf32, #tpu.memory_space<hbm>>) target(%arg4 : memref<16x2048xf32, #tpu.memory_space<vmem>>) target_semaphore(%arg7 : memref<!tpu.dma_semaphore, #tpu.memory_space<semaphore_mem>>)
    %dma_wait3A_409 = arith.constant 0 : i32
    %dma_wait3A_410 = tpu.memref_slice %arg2[%add3A_384, %dma_wait3A_409] : memref<16384x2048xf32, #tpu.memory_space<hbm>> -> memref<16x2048xf32, #tpu.memory_space<hbm>>
    %dma_wait3A_411 = arith.constant 0 : i32
    %dma_wait3A_412 = tpu.memref_slice %arg2[%add3A_384, %dma_wait3A_411] : memref<16384x2048xf32, #tpu.memory_space<hbm>> -> memref<16x2048xf32, #tpu.memory_space<hbm>>
    tpu.wait_dma2 semaphore(%arg9 : memref<!tpu.dma_semaphore, #tpu.memory_space<semaphore_mem>>) src(%dma_wait3A_412 : memref<16x2048xf32, #tpu.memory_space<hbm>>) dst(%arg6 : memref<16x2048xf32, #tpu.memory_space<vmem>>)
    %add3A_413 = arith.constant 320 : i32
    %add3A_414 = arith.addi %mul3A_2, %add3A_413 : i32
    %dma_start3A_415 = arith.constant 0 : i32
    %dma_start3A_416 = tpu.memref_slice %arg3[%add3A_414, %dma_start3A_415] : memref<16384x2048xf32, #tpu.memory_space<hbm>> -> memref<16x2048xf32, #tpu.memory_space<hbm>>
    %dma_start3A_417 = arith.constant 0 : i32
    %dma_start3A_418 = tpu.memref_slice %arg3[%add3A_414, %dma_start3A_417] : memref<16384x2048xf32, #tpu.memory_space<hbm>> -> memref<16x2048xf32, #tpu.memory_space<hbm>>
    tpu.enqueue_dma source(%arg6 : memref<16x2048xf32, #tpu.memory_space<vmem>>) target(%dma_start3A_418 : memref<16x2048xf32, #tpu.memory_space<hbm>>) target_semaphore(%arg12 : memref<!tpu.dma_semaphore, #tpu.memory_space<semaphore_mem>>)
    %dma_wait3A_419 = arith.constant 0 : i32
    %dma_wait3A_420 = tpu.memref_slice %arg3[%add3A_394, %dma_wait3A_419] : memref<16384x2048xf32, #tpu.memory_space<hbm>> -> memref<16x2048xf32, #tpu.memory_space<hbm>>
    %dma_wait3A_421 = arith.constant 0 : i32
    %dma_wait3A_422 = tpu.memref_slice %arg3[%add3A_394, %dma_wait3A_421] : memref<16384x2048xf32, #tpu.memory_space<hbm>> -> memref<16x2048xf32, #tpu.memory_space<hbm>>
    tpu.wait_dma2 semaphore(%arg11 : memref<!tpu.dma_semaphore, #tpu.memory_space<semaphore_mem>>) src(%arg5 : memref<16x2048xf32, #tpu.memory_space<vmem>>) dst(%dma_wait3A_422 : memref<16x2048xf32, #tpu.memory_space<hbm>>)
    %add3A_423 = arith.constant 352 : i32
    %add3A_424 = arith.addi %mul3A_2, %add3A_423 : i32
    %dma_start3A_425 = arith.constant 0 : i32
    %dma_start3A_426 = tpu.memref_slice %arg2[%add3A_424, %dma_start3A_425] : memref<16384x2048xf32, #tpu.memory_space<hbm>> -> memref<16x2048xf32, #tpu.memory_space<hbm>>
    %dma_start3A_427 = arith.constant 0 : i32
    %dma_start3A_428 = tpu.memref_slice %arg2[%add3A_424, %dma_start3A_427] : memref<16384x2048xf32, #tpu.memory_space<hbm>> -> memref<16x2048xf32, #tpu.memory_space<hbm>>
    tpu.enqueue_dma source(%dma_start3A_428 : memref<16x2048xf32, #tpu.memory_space<hbm>>) target(%arg5 : memref<16x2048xf32, #tpu.memory_space<vmem>>) target_semaphore(%arg8 : memref<!tpu.dma_semaphore, #tpu.memory_space<semaphore_mem>>)
    %dma_wait3A_429 = arith.constant 0 : i32
    %dma_wait3A_430 = tpu.memref_slice %arg2[%add3A_404, %dma_wait3A_429] : memref<16384x2048xf32, #tpu.memory_space<hbm>> -> memref<16x2048xf32, #tpu.memory_space<hbm>>
    %dma_wait3A_431 = arith.constant 0 : i32
    %dma_wait3A_432 = tpu.memref_slice %arg2[%add3A_404, %dma_wait3A_431] : memref<16384x2048xf32, #tpu.memory_space<hbm>> -> memref<16x2048xf32, #tpu.memory_space<hbm>>
    tpu.wait_dma2 semaphore(%arg7 : memref<!tpu.dma_semaphore, #tpu.memory_space<semaphore_mem>>) src(%dma_wait3A_432 : memref<16x2048xf32, #tpu.memory_space<hbm>>) dst(%arg4 : memref<16x2048xf32, #tpu.memory_space<vmem>>)
    %add3A_433 = arith.constant 336 : i32
    %add3A_434 = arith.addi %mul3A_2, %add3A_433 : i32
    %dma_start3A_435 = arith.constant 0 : i32
    %dma_start3A_436 = tpu.memref_slice %arg3[%add3A_434, %dma_start3A_435] : memref<16384x2048xf32, #tpu.memory_space<hbm>> -> memref<16x2048xf32, #tpu.memory_space<hbm>>
    %dma_start3A_437 = arith.constant 0 : i32
    %dma_start3A_438 = tpu.memref_slice %arg3[%add3A_434, %dma_start3A_437] : memref<16384x2048xf32, #tpu.memory_space<hbm>> -> memref<16x2048xf32, #tpu.memory_space<hbm>>
    tpu.enqueue_dma source(%arg4 : memref<16x2048xf32, #tpu.memory_space<vmem>>) target(%dma_start3A_438 : memref<16x2048xf32, #tpu.memory_space<hbm>>) target_semaphore(%arg10 : memref<!tpu.dma_semaphore, #tpu.memory_space<semaphore_mem>>)
    %dma_wait3A_439 = arith.constant 0 : i32
    %dma_wait3A_440 = tpu.memref_slice %arg3[%add3A_414, %dma_wait3A_439] : memref<16384x2048xf32, #tpu.memory_space<hbm>> -> memref<16x2048xf32, #tpu.memory_space<hbm>>
    %dma_wait3A_441 = arith.constant 0 : i32
    %dma_wait3A_442 = tpu.memref_slice %arg3[%add3A_414, %dma_wait3A_441] : memref<16384x2048xf32, #tpu.memory_space<hbm>> -> memref<16x2048xf32, #tpu.memory_space<hbm>>
    tpu.wait_dma2 semaphore(%arg12 : memref<!tpu.dma_semaphore, #tpu.memory_space<semaphore_mem>>) src(%arg6 : memref<16x2048xf32, #tpu.memory_space<vmem>>) dst(%dma_wait3A_442 : memref<16x2048xf32, #tpu.memory_space<hbm>>)
    %add3A_443 = arith.constant 368 : i32
    %add3A_444 = arith.addi %mul3A_2, %add3A_443 : i32
    %dma_start3A_445 = arith.constant 0 : i32
    %dma_start3A_446 = tpu.memref_slice %arg2[%add3A_444, %dma_start3A_445] : memref<16384x2048xf32, #tpu.memory_space<hbm>> -> memref<16x2048xf32, #tpu.memory_space<hbm>>
    %dma_start3A_447 = arith.constant 0 : i32
    %dma_start3A_448 = tpu.memref_slice %arg2[%add3A_444, %dma_start3A_447] : memref<16384x2048xf32, #tpu.memory_space<hbm>> -> memref<16x2048xf32, #tpu.memory_space<hbm>>
    tpu.enqueue_dma source(%dma_start3A_448 : memref<16x2048xf32, #tpu.memory_space<hbm>>) target(%arg6 : memref<16x2048xf32, #tpu.memory_space<vmem>>) target_semaphore(%arg9 : memref<!tpu.dma_semaphore, #tpu.memory_space<semaphore_mem>>)
    %dma_wait3A_449 = arith.constant 0 : i32
    %dma_wait3A_450 = tpu.memref_slice %arg2[%add3A_424, %dma_wait3A_449] : memref<16384x2048xf32, #tpu.memory_space<hbm>> -> memref<16x2048xf32, #tpu.memory_space<hbm>>
    %dma_wait3A_451 = arith.constant 0 : i32
    %dma_wait3A_452 = tpu.memref_slice %arg2[%add3A_424, %dma_wait3A_451] : memref<16384x2048xf32, #tpu.memory_space<hbm>> -> memref<16x2048xf32, #tpu.memory_space<hbm>>
    tpu.wait_dma2 semaphore(%arg8 : memref<!tpu.dma_semaphore, #tpu.memory_space<semaphore_mem>>) src(%dma_wait3A_452 : memref<16x2048xf32, #tpu.memory_space<hbm>>) dst(%arg5 : memref<16x2048xf32, #tpu.memory_space<vmem>>)
    %add3A_453 = arith.constant 352 : i32
    %add3A_454 = arith.addi %mul3A_2, %add3A_453 : i32
    %dma_start3A_455 = arith.constant 0 : i32
    %dma_start3A_456 = tpu.memref_slice %arg3[%add3A_454, %dma_start3A_455] : memref<16384x2048xf32, #tpu.memory_space<hbm>> -> memref<16x2048xf32, #tpu.memory_space<hbm>>
    %dma_start3A_457 = arith.constant 0 : i32
    %dma_start3A_458 = tpu.memref_slice %arg3[%add3A_454, %dma_start3A_457] : memref<16384x2048xf32, #tpu.memory_space<hbm>> -> memref<16x2048xf32, #tpu.memory_space<hbm>>
    tpu.enqueue_dma source(%arg5 : memref<16x2048xf32, #tpu.memory_space<vmem>>) target(%dma_start3A_458 : memref<16x2048xf32, #tpu.memory_space<hbm>>) target_semaphore(%arg11 : memref<!tpu.dma_semaphore, #tpu.memory_space<semaphore_mem>>)
    %dma_wait3A_459 = arith.constant 0 : i32
    %dma_wait3A_460 = tpu.memref_slice %arg3[%add3A_434, %dma_wait3A_459] : memref<16384x2048xf32, #tpu.memory_space<hbm>> -> memref<16x2048xf32, #tpu.memory_space<hbm>>
    %dma_wait3A_461 = arith.constant 0 : i32
    %dma_wait3A_462 = tpu.memref_slice %arg3[%add3A_434, %dma_wait3A_461] : memref<16384x2048xf32, #tpu.memory_space<hbm>> -> memref<16x2048xf32, #tpu.memory_space<hbm>>
    tpu.wait_dma2 semaphore(%arg10 : memref<!tpu.dma_semaphore, #tpu.memory_space<semaphore_mem>>) src(%arg4 : memref<16x2048xf32, #tpu.memory_space<vmem>>) dst(%dma_wait3A_462 : memref<16x2048xf32, #tpu.memory_space<hbm>>)
    %add3A_463 = arith.constant 384 : i32
    %add3A_464 = arith.addi %mul3A_2, %add3A_463 : i32
    %dma_start3A_465 = arith.constant 0 : i32
    %dma_start3A_466 = tpu.memref_slice %arg2[%add3A_464, %dma_start3A_465] : memref<16384x2048xf32, #tpu.memory_space<hbm>> -> memref<16x2048xf32, #tpu.memory_space<hbm>>
    %dma_start3A_467 = arith.constant 0 : i32
    %dma_start3A_468 = tpu.memref_slice %arg2[%add3A_464, %dma_start3A_467] : memref<16384x2048xf32, #tpu.memory_space<hbm>> -> memref<16x2048xf32, #tpu.memory_space<hbm>>
    tpu.enqueue_dma source(%dma_start3A_468 : memref<16x2048xf32, #tpu.memory_space<hbm>>) target(%arg4 : memref<16x2048xf32, #tpu.memory_space<vmem>>) target_semaphore(%arg7 : memref<!tpu.dma_semaphore, #tpu.memory_space<semaphore_mem>>)
    %dma_wait3A_469 = arith.constant 0 : i32
    %dma_wait3A_470 = tpu.memref_slice %arg2[%add3A_444, %dma_wait3A_469] : memref<16384x2048xf32, #tpu.memory_space<hbm>> -> memref<16x2048xf32, #tpu.memory_space<hbm>>
    %dma_wait3A_471 = arith.constant 0 : i32
    %dma_wait3A_472 = tpu.memref_slice %arg2[%add3A_444, %dma_wait3A_471] : memref<16384x2048xf32, #tpu.memory_space<hbm>> -> memref<16x2048xf32, #tpu.memory_space<hbm>>
    tpu.wait_dma2 semaphore(%arg9 : memref<!tpu.dma_semaphore, #tpu.memory_space<semaphore_mem>>) src(%dma_wait3A_472 : memref<16x2048xf32, #tpu.memory_space<hbm>>) dst(%arg6 : memref<16x2048xf32, #tpu.memory_space<vmem>>)
    %add3A_473 = arith.constant 368 : i32
    %add3A_474 = arith.addi %mul3A_2, %add3A_473 : i32
    %dma_start3A_475 = arith.constant 0 : i32
    %dma_start3A_476 = tpu.memref_slice %arg3[%add3A_474, %dma_start3A_475] : memref<16384x2048xf32, #tpu.memory_space<hbm>> -> memref<16x2048xf32, #tpu.memory_space<hbm>>
    %dma_start3A_477 = arith.constant 0 : i32
    %dma_start3A_478 = tpu.memref_slice %arg3[%add3A_474, %dma_start3A_477] : memref<16384x2048xf32, #tpu.memory_space<hbm>> -> memref<16x2048xf32, #tpu.memory_space<hbm>>
    tpu.enqueue_dma source(%arg6 : memref<16x2048xf32, #tpu.memory_space<vmem>>) target(%dma_start3A_478 : memref<16x2048xf32, #tpu.memory_space<hbm>>) target_semaphore(%arg12 : memref<!tpu.dma_semaphore, #tpu.memory_space<semaphore_mem>>)
    %dma_wait3A_479 = arith.constant 0 : i32
    %dma_wait3A_480 = tpu.memref_slice %arg3[%add3A_454, %dma_wait3A_479] : memref<16384x2048xf32, #tpu.memory_space<hbm>> -> memref<16x2048xf32, #tpu.memory_space<hbm>>
    %dma_wait3A_481 = arith.constant 0 : i32
    %dma_wait3A_482 = tpu.memref_slice %arg3[%add3A_454, %dma_wait3A_481] : memref<16384x2048xf32, #tpu.memory_space<hbm>> -> memref<16x2048xf32, #tpu.memory_space<hbm>>
    tpu.wait_dma2 semaphore(%arg11 : memref<!tpu.dma_semaphore, #tpu.memory_space<semaphore_mem>>) src(%arg5 : memref<16x2048xf32, #tpu.memory_space<vmem>>) dst(%dma_wait3A_482 : memref<16x2048xf32, #tpu.memory_space<hbm>>)
    %add3A_483 = arith.constant 400 : i32
    %add3A_484 = arith.addi %mul3A_2, %add3A_483 : i32
    %dma_start3A_485 = arith.constant 0 : i32
    %dma_start3A_486 = tpu.memref_slice %arg2[%add3A_484, %dma_start3A_485] : memref<16384x2048xf32, #tpu.memory_space<hbm>> -> memref<16x2048xf32, #tpu.memory_space<hbm>>
    %dma_start3A_487 = arith.constant 0 : i32
    %dma_start3A_488 = tpu.memref_slice %arg2[%add3A_484, %dma_start3A_487] : memref<16384x2048xf32, #tpu.memory_space<hbm>> -> memref<16x2048xf32, #tpu.memory_space<hbm>>
    tpu.enqueue_dma source(%dma_start3A_488 : memref<16x2048xf32, #tpu.memory_space<hbm>>) target(%arg5 : memref<16x2048xf32, #tpu.memory_space<vmem>>) target_semaphore(%arg8 : memref<!tpu.dma_semaphore, #tpu.memory_space<semaphore_mem>>)
    %dma_wait3A_489 = arith.constant 0 : i32
    %dma_wait3A_490 = tpu.memref_slice %arg2[%add3A_464, %dma_wait3A_489] : memref<16384x2048xf32, #tpu.memory_space<hbm>> -> memref<16x2048xf32, #tpu.memory_space<hbm>>
    %dma_wait3A_491 = arith.constant 0 : i32
    %dma_wait3A_492 = tpu.memref_slice %arg2[%add3A_464, %dma_wait3A_491] : memref<16384x2048xf32, #tpu.memory_space<hbm>> -> memref<16x2048xf32, #tpu.memory_space<hbm>>
    tpu.wait_dma2 semaphore(%arg7 : memref<!tpu.dma_semaphore, #tpu.memory_space<semaphore_mem>>) src(%dma_wait3A_492 : memref<16x2048xf32, #tpu.memory_space<hbm>>) dst(%arg4 : memref<16x2048xf32, #tpu.memory_space<vmem>>)
    %add3A_493 = arith.constant 384 : i32
    %add3A_494 = arith.addi %mul3A_2, %add3A_493 : i32
    %dma_start3A_495 = arith.constant 0 : i32
    %dma_start3A_496 = tpu.memref_slice %arg3[%add3A_494, %dma_start3A_495] : memref<16384x2048xf32, #tpu.memory_space<hbm>> -> memref<16x2048xf32, #tpu.memory_space<hbm>>
    %dma_start3A_497 = arith.constant 0 : i32
    %dma_start3A_498 = tpu.memref_slice %arg3[%add3A_494, %dma_start3A_497] : memref<16384x2048xf32, #tpu.memory_space<hbm>> -> memref<16x2048xf32, #tpu.memory_space<hbm>>
    tpu.enqueue_dma source(%arg4 : memref<16x2048xf32, #tpu.memory_space<vmem>>) target(%dma_start3A_498 : memref<16x2048xf32, #tpu.memory_space<hbm>>) target_semaphore(%arg10 : memref<!tpu.dma_semaphore, #tpu.memory_space<semaphore_mem>>)
    %dma_wait3A_499 = arith.constant 0 : i32
    %dma_wait3A_500 = tpu.memref_slice %arg3[%add3A_474, %dma_wait3A_499] : memref<16384x2048xf32, #tpu.memory_space<hbm>> -> memref<16x2048xf32, #tpu.memory_space<hbm>>
    %dma_wait3A_501 = arith.constant 0 : i32
    %dma_wait3A_502 = tpu.memref_slice %arg3[%add3A_474, %dma_wait3A_501] : memref<16384x2048xf32, #tpu.memory_space<hbm>> -> memref<16x2048xf32, #tpu.memory_space<hbm>>
    tpu.wait_dma2 semaphore(%arg12 : memref<!tpu.dma_semaphore, #tpu.memory_space<semaphore_mem>>) src(%arg6 : memref<16x2048xf32, #tpu.memory_space<vmem>>) dst(%dma_wait3A_502 : memref<16x2048xf32, #tpu.memory_space<hbm>>)
    %add3A_503 = arith.constant 416 : i32
    %add3A_504 = arith.addi %mul3A_2, %add3A_503 : i32
    %dma_start3A_505 = arith.constant 0 : i32
    %dma_start3A_506 = tpu.memref_slice %arg2[%add3A_504, %dma_start3A_505] : memref<16384x2048xf32, #tpu.memory_space<hbm>> -> memref<16x2048xf32, #tpu.memory_space<hbm>>
    %dma_start3A_507 = arith.constant 0 : i32
    %dma_start3A_508 = tpu.memref_slice %arg2[%add3A_504, %dma_start3A_507] : memref<16384x2048xf32, #tpu.memory_space<hbm>> -> memref<16x2048xf32, #tpu.memory_space<hbm>>
    tpu.enqueue_dma source(%dma_start3A_508 : memref<16x2048xf32, #tpu.memory_space<hbm>>) target(%arg6 : memref<16x2048xf32, #tpu.memory_space<vmem>>) target_semaphore(%arg9 : memref<!tpu.dma_semaphore, #tpu.memory_space<semaphore_mem>>)
    %dma_wait3A_509 = arith.constant 0 : i32
    %dma_wait3A_510 = tpu.memref_slice %arg2[%add3A_484, %dma_wait3A_509] : memref<16384x2048xf32, #tpu.memory_space<hbm>> -> memref<16x2048xf32, #tpu.memory_space<hbm>>
    %dma_wait3A_511 = arith.constant 0 : i32
    %dma_wait3A_512 = tpu.memref_slice %arg2[%add3A_484, %dma_wait3A_511] : memref<16384x2048xf32, #tpu.memory_space<hbm>> -> memref<16x2048xf32, #tpu.memory_space<hbm>>
    tpu.wait_dma2 semaphore(%arg8 : memref<!tpu.dma_semaphore, #tpu.memory_space<semaphore_mem>>) src(%dma_wait3A_512 : memref<16x2048xf32, #tpu.memory_space<hbm>>) dst(%arg5 : memref<16x2048xf32, #tpu.memory_space<vmem>>)
    %add3A_513 = arith.constant 400 : i32
    %add3A_514 = arith.addi %mul3A_2, %add3A_513 : i32
    %dma_start3A_515 = arith.constant 0 : i32
    %dma_start3A_516 = tpu.memref_slice %arg3[%add3A_514, %dma_start3A_515] : memref<16384x2048xf32, #tpu.memory_space<hbm>> -> memref<16x2048xf32, #tpu.memory_space<hbm>>
    %dma_start3A_517 = arith.constant 0 : i32
    %dma_start3A_518 = tpu.memref_slice %arg3[%add3A_514, %dma_start3A_517] : memref<16384x2048xf32, #tpu.memory_space<hbm>> -> memref<16x2048xf32, #tpu.memory_space<hbm>>
    tpu.enqueue_dma source(%arg5 : memref<16x2048xf32, #tpu.memory_space<vmem>>) target(%dma_start3A_518 : memref<16x2048xf32, #tpu.memory_space<hbm>>) target_semaphore(%arg11 : memref<!tpu.dma_semaphore, #tpu.memory_space<semaphore_mem>>)
    %dma_wait3A_519 = arith.constant 0 : i32
    %dma_wait3A_520 = tpu.memref_slice %arg3[%add3A_494, %dma_wait3A_519] : memref<16384x2048xf32, #tpu.memory_space<hbm>> -> memref<16x2048xf32, #tpu.memory_space<hbm>>
    %dma_wait3A_521 = arith.constant 0 : i32
    %dma_wait3A_522 = tpu.memref_slice %arg3[%add3A_494, %dma_wait3A_521] : memref<16384x2048xf32, #tpu.memory_space<hbm>> -> memref<16x2048xf32, #tpu.memory_space<hbm>>
    tpu.wait_dma2 semaphore(%arg10 : memref<!tpu.dma_semaphore, #tpu.memory_space<semaphore_mem>>) src(%arg4 : memref<16x2048xf32, #tpu.memory_space<vmem>>) dst(%dma_wait3A_522 : memref<16x2048xf32, #tpu.memory_space<hbm>>)
    %add3A_523 = arith.constant 432 : i32
    %add3A_524 = arith.addi %mul3A_2, %add3A_523 : i32
    %dma_start3A_525 = arith.constant 0 : i32
    %dma_start3A_526 = tpu.memref_slice %arg2[%add3A_524, %dma_start3A_525] : memref<16384x2048xf32, #tpu.memory_space<hbm>> -> memref<16x2048xf32, #tpu.memory_space<hbm>>
    %dma_start3A_527 = arith.constant 0 : i32
    %dma_start3A_528 = tpu.memref_slice %arg2[%add3A_524, %dma_start3A_527] : memref<16384x2048xf32, #tpu.memory_space<hbm>> -> memref<16x2048xf32, #tpu.memory_space<hbm>>
    tpu.enqueue_dma source(%dma_start3A_528 : memref<16x2048xf32, #tpu.memory_space<hbm>>) target(%arg4 : memref<16x2048xf32, #tpu.memory_space<vmem>>) target_semaphore(%arg7 : memref<!tpu.dma_semaphore, #tpu.memory_space<semaphore_mem>>)
    %dma_wait3A_529 = arith.constant 0 : i32
    %dma_wait3A_530 = tpu.memref_slice %arg2[%add3A_504, %dma_wait3A_529] : memref<16384x2048xf32, #tpu.memory_space<hbm>> -> memref<16x2048xf32, #tpu.memory_space<hbm>>
    %dma_wait3A_531 = arith.constant 0 : i32
    %dma_wait3A_532 = tpu.memref_slice %arg2[%add3A_504, %dma_wait3A_531] : memref<16384x2048xf32, #tpu.memory_space<hbm>> -> memref<16x2048xf32, #tpu.memory_space<hbm>>
    tpu.wait_dma2 semaphore(%arg9 : memref<!tpu.dma_semaphore, #tpu.memory_space<semaphore_mem>>) src(%dma_wait3A_532 : memref<16x2048xf32, #tpu.memory_space<hbm>>) dst(%arg6 : memref<16x2048xf32, #tpu.memory_space<vmem>>)
    %add3A_533 = arith.constant 416 : i32
    %add3A_534 = arith.addi %mul3A_2, %add3A_533 : i32
    %dma_start3A_535 = arith.constant 0 : i32
    %dma_start3A_536 = tpu.memref_slice %arg3[%add3A_534, %dma_start3A_535] : memref<16384x2048xf32, #tpu.memory_space<hbm>> -> memref<16x2048xf32, #tpu.memory_space<hbm>>
    %dma_start3A_537 = arith.constant 0 : i32
    %dma_start3A_538 = tpu.memref_slice %arg3[%add3A_534, %dma_start3A_537] : memref<16384x2048xf32, #tpu.memory_space<hbm>> -> memref<16x2048xf32, #tpu.memory_space<hbm>>
    tpu.enqueue_dma source(%arg6 : memref<16x2048xf32, #tpu.memory_space<vmem>>) target(%dma_start3A_538 : memref<16x2048xf32, #tpu.memory_space<hbm>>) target_semaphore(%arg12 : memref<!tpu.dma_semaphore, #tpu.memory_space<semaphore_mem>>)
    %dma_wait3A_539 = arith.constant 0 : i32
    %dma_wait3A_540 = tpu.memref_slice %arg3[%add3A_514, %dma_wait3A_539] : memref<16384x2048xf32, #tpu.memory_space<hbm>> -> memref<16x2048xf32, #tpu.memory_space<hbm>>
    %dma_wait3A_541 = arith.constant 0 : i32
    %dma_wait3A_542 = tpu.memref_slice %arg3[%add3A_514, %dma_wait3A_541] : memref<16384x2048xf32, #tpu.memory_space<hbm>> -> memref<16x2048xf32, #tpu.memory_space<hbm>>
    tpu.wait_dma2 semaphore(%arg11 : memref<!tpu.dma_semaphore, #tpu.memory_space<semaphore_mem>>) src(%arg5 : memref<16x2048xf32, #tpu.memory_space<vmem>>) dst(%dma_wait3A_542 : memref<16x2048xf32, #tpu.memory_space<hbm>>)
    %add3A_543 = arith.constant 448 : i32
    %add3A_544 = arith.addi %mul3A_2, %add3A_543 : i32
    %dma_start3A_545 = arith.constant 0 : i32
    %dma_start3A_546 = tpu.memref_slice %arg2[%add3A_544, %dma_start3A_545] : memref<16384x2048xf32, #tpu.memory_space<hbm>> -> memref<16x2048xf32, #tpu.memory_space<hbm>>
    %dma_start3A_547 = arith.constant 0 : i32
    %dma_start3A_548 = tpu.memref_slice %arg2[%add3A_544, %dma_start3A_547] : memref<16384x2048xf32, #tpu.memory_space<hbm>> -> memref<16x2048xf32, #tpu.memory_space<hbm>>
    tpu.enqueue_dma source(%dma_start3A_548 : memref<16x2048xf32, #tpu.memory_space<hbm>>) target(%arg5 : memref<16x2048xf32, #tpu.memory_space<vmem>>) target_semaphore(%arg8 : memref<!tpu.dma_semaphore, #tpu.memory_space<semaphore_mem>>)
    %dma_wait3A_549 = arith.constant 0 : i32
    %dma_wait3A_550 = tpu.memref_slice %arg2[%add3A_524, %dma_wait3A_549] : memref<16384x2048xf32, #tpu.memory_space<hbm>> -> memref<16x2048xf32, #tpu.memory_space<hbm>>
    %dma_wait3A_551 = arith.constant 0 : i32
    %dma_wait3A_552 = tpu.memref_slice %arg2[%add3A_524, %dma_wait3A_551] : memref<16384x2048xf32, #tpu.memory_space<hbm>> -> memref<16x2048xf32, #tpu.memory_space<hbm>>
    tpu.wait_dma2 semaphore(%arg7 : memref<!tpu.dma_semaphore, #tpu.memory_space<semaphore_mem>>) src(%dma_wait3A_552 : memref<16x2048xf32, #tpu.memory_space<hbm>>) dst(%arg4 : memref<16x2048xf32, #tpu.memory_space<vmem>>)
    %add3A_553 = arith.constant 432 : i32
    %add3A_554 = arith.addi %mul3A_2, %add3A_553 : i32
    %dma_start3A_555 = arith.constant 0 : i32
    %dma_start3A_556 = tpu.memref_slice %arg3[%add3A_554, %dma_start3A_555] : memref<16384x2048xf32, #tpu.memory_space<hbm>> -> memref<16x2048xf32, #tpu.memory_space<hbm>>
    %dma_start3A_557 = arith.constant 0 : i32
    %dma_start3A_558 = tpu.memref_slice %arg3[%add3A_554, %dma_start3A_557] : memref<16384x2048xf32, #tpu.memory_space<hbm>> -> memref<16x2048xf32, #tpu.memory_space<hbm>>
    tpu.enqueue_dma source(%arg4 : memref<16x2048xf32, #tpu.memory_space<vmem>>) target(%dma_start3A_558 : memref<16x2048xf32, #tpu.memory_space<hbm>>) target_semaphore(%arg10 : memref<!tpu.dma_semaphore, #tpu.memory_space<semaphore_mem>>)
    %dma_wait3A_559 = arith.constant 0 : i32
    %dma_wait3A_560 = tpu.memref_slice %arg3[%add3A_534, %dma_wait3A_559] : memref<16384x2048xf32, #tpu.memory_space<hbm>> -> memref<16x2048xf32, #tpu.memory_space<hbm>>
    %dma_wait3A_561 = arith.constant 0 : i32
    %dma_wait3A_562 = tpu.memref_slice %arg3[%add3A_534, %dma_wait3A_561] : memref<16384x2048xf32, #tpu.memory_space<hbm>> -> memref<16x2048xf32, #tpu.memory_space<hbm>>
    tpu.wait_dma2 semaphore(%arg12 : memref<!tpu.dma_semaphore, #tpu.memory_space<semaphore_mem>>) src(%arg6 : memref<16x2048xf32, #tpu.memory_space<vmem>>) dst(%dma_wait3A_562 : memref<16x2048xf32, #tpu.memory_space<hbm>>)
    %add3A_563 = arith.constant 464 : i32
    %add3A_564 = arith.addi %mul3A_2, %add3A_563 : i32
    %dma_start3A_565 = arith.constant 0 : i32
    %dma_start3A_566 = tpu.memref_slice %arg2[%add3A_564, %dma_start3A_565] : memref<16384x2048xf32, #tpu.memory_space<hbm>> -> memref<16x2048xf32, #tpu.memory_space<hbm>>
    %dma_start3A_567 = arith.constant 0 : i32
    %dma_start3A_568 = tpu.memref_slice %arg2[%add3A_564, %dma_start3A_567] : memref<16384x2048xf32, #tpu.memory_space<hbm>> -> memref<16x2048xf32, #tpu.memory_space<hbm>>
    tpu.enqueue_dma source(%dma_start3A_568 : memref<16x2048xf32, #tpu.memory_space<hbm>>) target(%arg6 : memref<16x2048xf32, #tpu.memory_space<vmem>>) target_semaphore(%arg9 : memref<!tpu.dma_semaphore, #tpu.memory_space<semaphore_mem>>)
    %dma_wait3A_569 = arith.constant 0 : i32
    %dma_wait3A_570 = tpu.memref_slice %arg2[%add3A_544, %dma_wait3A_569] : memref<16384x2048xf32, #tpu.memory_space<hbm>> -> memref<16x2048xf32, #tpu.memory_space<hbm>>
    %dma_wait3A_571 = arith.constant 0 : i32
    %dma_wait3A_572 = tpu.memref_slice %arg2[%add3A_544, %dma_wait3A_571] : memref<16384x2048xf32, #tpu.memory_space<hbm>> -> memref<16x2048xf32, #tpu.memory_space<hbm>>
    tpu.wait_dma2 semaphore(%arg8 : memref<!tpu.dma_semaphore, #tpu.memory_space<semaphore_mem>>) src(%dma_wait3A_572 : memref<16x2048xf32, #tpu.memory_space<hbm>>) dst(%arg5 : memref<16x2048xf32, #tpu.memory_space<vmem>>)
    %add3A_573 = arith.constant 448 : i32
    %add3A_574 = arith.addi %mul3A_2, %add3A_573 : i32
    %dma_start3A_575 = arith.constant 0 : i32
    %dma_start3A_576 = tpu.memref_slice %arg3[%add3A_574, %dma_start3A_575] : memref<16384x2048xf32, #tpu.memory_space<hbm>> -> memref<16x2048xf32, #tpu.memory_space<hbm>>
    %dma_start3A_577 = arith.constant 0 : i32
    %dma_start3A_578 = tpu.memref_slice %arg3[%add3A_574, %dma_start3A_577] : memref<16384x2048xf32, #tpu.memory_space<hbm>> -> memref<16x2048xf32, #tpu.memory_space<hbm>>
    tpu.enqueue_dma source(%arg5 : memref<16x2048xf32, #tpu.memory_space<vmem>>) target(%dma_start3A_578 : memref<16x2048xf32, #tpu.memory_space<hbm>>) target_semaphore(%arg11 : memref<!tpu.dma_semaphore, #tpu.memory_space<semaphore_mem>>)
    %dma_wait3A_579 = arith.constant 0 : i32
    %dma_wait3A_580 = tpu.memref_slice %arg3[%add3A_554, %dma_wait3A_579] : memref<16384x2048xf32, #tpu.memory_space<hbm>> -> memref<16x2048xf32, #tpu.memory_space<hbm>>
    %dma_wait3A_581 = arith.constant 0 : i32
    %dma_wait3A_582 = tpu.memref_slice %arg3[%add3A_554, %dma_wait3A_581] : memref<16384x2048xf32, #tpu.memory_space<hbm>> -> memref<16x2048xf32, #tpu.memory_space<hbm>>
    tpu.wait_dma2 semaphore(%arg10 : memref<!tpu.dma_semaphore, #tpu.memory_space<semaphore_mem>>) src(%arg4 : memref<16x2048xf32, #tpu.memory_space<vmem>>) dst(%dma_wait3A_582 : memref<16x2048xf32, #tpu.memory_space<hbm>>)
    %add3A_583 = arith.constant 480 : i32
    %add3A_584 = arith.addi %mul3A_2, %add3A_583 : i32
    %dma_start3A_585 = arith.constant 0 : i32
    %dma_start3A_586 = tpu.memref_slice %arg2[%add3A_584, %dma_start3A_585] : memref<16384x2048xf32, #tpu.memory_space<hbm>> -> memref<16x2048xf32, #tpu.memory_space<hbm>>
    %dma_start3A_587 = arith.constant 0 : i32
    %dma_start3A_588 = tpu.memref_slice %arg2[%add3A_584, %dma_start3A_587] : memref<16384x2048xf32, #tpu.memory_space<hbm>> -> memref<16x2048xf32, #tpu.memory_space<hbm>>
    tpu.enqueue_dma source(%dma_start3A_588 : memref<16x2048xf32, #tpu.memory_space<hbm>>) target(%arg4 : memref<16x2048xf32, #tpu.memory_space<vmem>>) target_semaphore(%arg7 : memref<!tpu.dma_semaphore, #tpu.memory_space<semaphore_mem>>)
    %dma_wait3A_589 = arith.constant 0 : i32
    %dma_wait3A_590 = tpu.memref_slice %arg2[%add3A_564, %dma_wait3A_589] : memref<16384x2048xf32, #tpu.memory_space<hbm>> -> memref<16x2048xf32, #tpu.memory_space<hbm>>
    %dma_wait3A_591 = arith.constant 0 : i32
    %dma_wait3A_592 = tpu.memref_slice %arg2[%add3A_564, %dma_wait3A_591] : memref<16384x2048xf32, #tpu.memory_space<hbm>> -> memref<16x2048xf32, #tpu.memory_space<hbm>>
    tpu.wait_dma2 semaphore(%arg9 : memref<!tpu.dma_semaphore, #tpu.memory_space<semaphore_mem>>) src(%dma_wait3A_592 : memref<16x2048xf32, #tpu.memory_space<hbm>>) dst(%arg6 : memref<16x2048xf32, #tpu.memory_space<vmem>>)
    %add3A_593 = arith.constant 464 : i32
    %add3A_594 = arith.addi %mul3A_2, %add3A_593 : i32
    %dma_start3A_595 = arith.constant 0 : i32
    %dma_start3A_596 = tpu.memref_slice %arg3[%add3A_594, %dma_start3A_595] : memref<16384x2048xf32, #tpu.memory_space<hbm>> -> memref<16x2048xf32, #tpu.memory_space<hbm>>
    %dma_start3A_597 = arith.constant 0 : i32
    %dma_start3A_598 = tpu.memref_slice %arg3[%add3A_594, %dma_start3A_597] : memref<16384x2048xf32, #tpu.memory_space<hbm>> -> memref<16x2048xf32, #tpu.memory_space<hbm>>
    tpu.enqueue_dma source(%arg6 : memref<16x2048xf32, #tpu.memory_space<vmem>>) target(%dma_start3A_598 : memref<16x2048xf32, #tpu.memory_space<hbm>>) target_semaphore(%arg12 : memref<!tpu.dma_semaphore, #tpu.memory_space<semaphore_mem>>)
    %dma_wait3A_599 = arith.constant 0 : i32
    %dma_wait3A_600 = tpu.memref_slice %arg3[%add3A_574, %dma_wait3A_599] : memref<16384x2048xf32, #tpu.memory_space<hbm>> -> memref<16x2048xf32, #tpu.memory_space<hbm>>
    %dma_wait3A_601 = arith.constant 0 : i32
    %dma_wait3A_602 = tpu.memref_slice %arg3[%add3A_574, %dma_wait3A_601] : memref<16384x2048xf32, #tpu.memory_space<hbm>> -> memref<16x2048xf32, #tpu.memory_space<hbm>>
    tpu.wait_dma2 semaphore(%arg11 : memref<!tpu.dma_semaphore, #tpu.memory_space<semaphore_mem>>) src(%arg5 : memref<16x2048xf32, #tpu.memory_space<vmem>>) dst(%dma_wait3A_602 : memref<16x2048xf32, #tpu.memory_space<hbm>>)
    %add3A_603 = arith.constant 496 : i32
    %add3A_604 = arith.addi %mul3A_2, %add3A_603 : i32
    %dma_start3A_605 = arith.constant 0 : i32
    %dma_start3A_606 = tpu.memref_slice %arg2[%add3A_604, %dma_start3A_605] : memref<16384x2048xf32, #tpu.memory_space<hbm>> -> memref<16x2048xf32, #tpu.memory_space<hbm>>
    %dma_start3A_607 = arith.constant 0 : i32
    %dma_start3A_608 = tpu.memref_slice %arg2[%add3A_604, %dma_start3A_607] : memref<16384x2048xf32, #tpu.memory_space<hbm>> -> memref<16x2048xf32, #tpu.memory_space<hbm>>
    tpu.enqueue_dma source(%dma_start3A_608 : memref<16x2048xf32, #tpu.memory_space<hbm>>) target(%arg5 : memref<16x2048xf32, #tpu.memory_space<vmem>>) target_semaphore(%arg8 : memref<!tpu.dma_semaphore, #tpu.memory_space<semaphore_mem>>)
    %dma_wait3A_609 = arith.constant 0 : i32
    %dma_wait3A_610 = tpu.memref_slice %arg2[%add3A_584, %dma_wait3A_609] : memref<16384x2048xf32, #tpu.memory_space<hbm>> -> memref<16x2048xf32, #tpu.memory_space<hbm>>
    %dma_wait3A_611 = arith.constant 0 : i32
    %dma_wait3A_612 = tpu.memref_slice %arg2[%add3A_584, %dma_wait3A_611] : memref<16384x2048xf32, #tpu.memory_space<hbm>> -> memref<16x2048xf32, #tpu.memory_space<hbm>>
    tpu.wait_dma2 semaphore(%arg7 : memref<!tpu.dma_semaphore, #tpu.memory_space<semaphore_mem>>) src(%dma_wait3A_612 : memref<16x2048xf32, #tpu.memory_space<hbm>>) dst(%arg4 : memref<16x2048xf32, #tpu.memory_space<vmem>>)
    %add3A_613 = arith.constant 480 : i32
    %add3A_614 = arith.addi %mul3A_2, %add3A_613 : i32
    %dma_start3A_615 = arith.constant 0 : i32
    %dma_start3A_616 = tpu.memref_slice %arg3[%add3A_614, %dma_start3A_615] : memref<16384x2048xf32, #tpu.memory_space<hbm>> -> memref<16x2048xf32, #tpu.memory_space<hbm>>
    %dma_start3A_617 = arith.constant 0 : i32
    %dma_start3A_618 = tpu.memref_slice %arg3[%add3A_614, %dma_start3A_617] : memref<16384x2048xf32, #tpu.memory_space<hbm>> -> memref<16x2048xf32, #tpu.memory_space<hbm>>
    tpu.enqueue_dma source(%arg4 : memref<16x2048xf32, #tpu.memory_space<vmem>>) target(%dma_start3A_618 : memref<16x2048xf32, #tpu.memory_space<hbm>>) target_semaphore(%arg10 : memref<!tpu.dma_semaphore, #tpu.memory_space<semaphore_mem>>)
    %dma_wait3A_619 = arith.constant 0 : i32
    %dma_wait3A_620 = tpu.memref_slice %arg2[%add3A_604, %dma_wait3A_619] : memref<16384x2048xf32, #tpu.memory_space<hbm>> -> memref<16x2048xf32, #tpu.memory_space<hbm>>
    %dma_wait3A_621 = arith.constant 0 : i32
    %dma_wait3A_622 = tpu.memref_slice %arg2[%add3A_604, %dma_wait3A_621] : memref<16384x2048xf32, #tpu.memory_space<hbm>> -> memref<16x2048xf32, #tpu.memory_space<hbm>>
    tpu.wait_dma2 semaphore(%arg8 : memref<!tpu.dma_semaphore, #tpu.memory_space<semaphore_mem>>) src(%dma_wait3A_622 : memref<16x2048xf32, #tpu.memory_space<hbm>>) dst(%arg5 : memref<16x2048xf32, #tpu.memory_space<vmem>>)
    %add3A_623 = arith.constant 496 : i32
    %add3A_624 = arith.addi %mul3A_2, %add3A_623 : i32
    %dma_start3A_625 = arith.constant 0 : i32
    %dma_start3A_626 = tpu.memref_slice %arg3[%add3A_624, %dma_start3A_625] : memref<16384x2048xf32, #tpu.memory_space<hbm>> -> memref<16x2048xf32, #tpu.memory_space<hbm>>
    %dma_start3A_627 = arith.constant 0 : i32
    %dma_start3A_628 = tpu.memref_slice %arg3[%add3A_624, %dma_start3A_627] : memref<16384x2048xf32, #tpu.memory_space<hbm>> -> memref<16x2048xf32, #tpu.memory_space<hbm>>
    tpu.enqueue_dma source(%arg5 : memref<16x2048xf32, #tpu.memory_space<vmem>>) target(%dma_start3A_628 : memref<16x2048xf32, #tpu.memory_space<hbm>>) target_semaphore(%arg11 : memref<!tpu.dma_semaphore, #tpu.memory_space<semaphore_mem>>)
    %dma_wait3A_629 = arith.constant 0 : i32
    %dma_wait3A_630 = tpu.memref_slice %arg3[%add3A_614, %dma_wait3A_629] : memref<16384x2048xf32, #tpu.memory_space<hbm>> -> memref<16x2048xf32, #tpu.memory_space<hbm>>
    %dma_wait3A_631 = arith.constant 0 : i32
    %dma_wait3A_632 = tpu.memref_slice %arg3[%add3A_614, %dma_wait3A_631] : memref<16384x2048xf32, #tpu.memory_space<hbm>> -> memref<16x2048xf32, #tpu.memory_space<hbm>>
    tpu.wait_dma2 semaphore(%arg10 : memref<!tpu.dma_semaphore, #tpu.memory_space<semaphore_mem>>) src(%arg4 : memref<16x2048xf32, #tpu.memory_space<vmem>>) dst(%dma_wait3A_632 : memref<16x2048xf32, #tpu.memory_space<hbm>>)
    %dma_wait3A_633 = arith.constant 0 : i32
    %dma_wait3A_634 = tpu.memref_slice %arg3[%add3A_624, %dma_wait3A_633] : memref<16384x2048xf32, #tpu.memory_space<hbm>> -> memref<16x2048xf32, #tpu.memory_space<hbm>>
    %dma_wait3A_635 = arith.constant 0 : i32
    %dma_wait3A_636 = tpu.memref_slice %arg3[%add3A_624, %dma_wait3A_635] : memref<16384x2048xf32, #tpu.memory_space<hbm>> -> memref<16x2048xf32, #tpu.memory_space<hbm>>
    tpu.wait_dma2 semaphore(%arg11 : memref<!tpu.dma_semaphore, #tpu.memory_space<semaphore_mem>>) src(%arg5 : memref<16x2048xf32, #tpu.memory_space<vmem>>) dst(%dma_wait3A_636 : memref<16x2048xf32, #tpu.memory_space<hbm>>)
    %dma_wait3A_637 = arith.constant 0 : i32
    %dma_wait3A_638 = tpu.memref_slice %arg3[%add3A_594, %dma_wait3A_637] : memref<16384x2048xf32, #tpu.memory_space<hbm>> -> memref<16x2048xf32, #tpu.memory_space<hbm>>
    %dma_wait3A_639 = arith.constant 0 : i32
    %dma_wait3A_640 = tpu.memref_slice %arg3[%add3A_594, %dma_wait3A_639] : memref<16384x2048xf32, #tpu.memory_space<hbm>> -> memref<16x2048xf32, #tpu.memory_space<hbm>>
    tpu.wait_dma2 semaphore(%arg12 : memref<!tpu.dma_semaphore, #tpu.memory_space<semaphore_mem>>) src(%arg6 : memref<16x2048xf32, #tpu.memory_space<vmem>>) dst(%dma_wait3A_640 : memref<16x2048xf32, #tpu.memory_space<hbm>>)
    return
  }
}

</mosaic_0001>

<sc_bundles>
// kernel: kernel.3.cloned.1.call-start
scs
__scs_entry_jumppad:
0x0: {  	(pc) =	sbr.rel $0x88, $3  }
0x1: {  	(tag) =	ssettag $0x0;
	lr =	simm.s32 $0x1  }
0x2: {  	[smem:$0x3FA0] =	sst lr;
	_ =	strace $0xD0000000  }
0x3: {  	_ = 	snop  }
0x4: {  	_ = 	snop  }
0x5: {  	_ = 	snop  }
0x6: {  	_ = 	snop  }
0x7: {  	_ = 	snop  }
__scs_overlays_trampoline_lowered:
0x8: {  	[smem:$0x3FAF] =	sst s0  }
0x9: {  	[smem:$0x3FB0] =	sst s1  }
0xa: {  	[smem:$0x3FB1] =	sst s2  }
0xb: {  	[smem:$0x3FB2] =	sst s3  }
0xc: {  	[smem:$0x3FB3] =	sst s4  }
0xd: {  	[smem:$0x3FB4] =	sst s5  }
0xe: {  	[smem:$0x3FB5] =	sst s6  }
0xf: {  	[smem:$0x3FB6] =	sst s7  }
0x10: {  	[smem:$0x3FB7] =	sst s8  }
0x11: {  	[smem:$0x3FB8] =	sst s9;
	s0 =	simm.s32 @!p0 $0x0  }
0x12: {  	s1 =	sld [smem:$0x3F9E];
	s0 =	simm.s32 @p0 $0x1  }
0x13: {  	[smem:$0x3FB9] =	sst s0;
	s0 =	simm.s32 @!p1 $0x0  }
0x14: {  	s2 =	sld [smem:$0x3F9D];
	s0 =	simm.s32 @p1 $0x1  }
0x15: {  	[smem:$0x3FBA] =	sst s0;
	s0 =	simm.s32 @!p2 $0x0  }
0x16: {  	s3 =	sld [smem:$0x3FDB];
	s0 =	simm.s32 @p2 $0x1  }
0x17: {  	s4 =	simm.s32 $0x1BF5;
	[smem:$0x3FBC] =	sst s0  }
0x18: {  	s0 =	sld [smem:$0x3F9F];
	_ =	swait.ge [sflag:s4], $0x0  }
0x19: {  	s7 =	sld [smem:$0x3FA0]  }
0x1a: {  	s8 =	sadd.s32 $0xFFFFE003, lr  }
0x1b: {  	s9 =	sadd.s32 $0xFFFFFEF7, lr;
	s5 =	simm.s32 $0xFFFFFFFF;
	p2 =	slt.u32 s8, $0xFFFFF086  }
0x1c: {  	p1 =	slt.u32 s9, $0xF7A;
	s5 =	simm.s32 @!p2 $0x0  }
0x1d: {  	s5 =	simm.s32 @p1 $0x1;
	p0 =	seq.s32 s7, s2  }
0x1e: {  	s7 =	smul.u32 @!p0 $0xF7A, s2;
	p2 =	seq.s32 @!p0 s5, $0x0  }
0x1f: {  	s9 =	smul.u32 $0xF7A, s1;
	s8 =	simm.s32 @!p0 $0x1BF5;
	p2 =	por !p2, p0  }
0x20: {  	[sflag:s8] =	ssyncset.s32 @!p0 $0xFFFFF086;
	s6 =	sadd.s32 @!p0 s3, s7;
	s7 =	simm.s32 @!p0 $0x108  }
0x21: {  	s3 =	sadd.s32 s3, s9;
	s6 =	sadd.s32 @!p0 $0x88, s6;
	s7 =	simm.s32 @p2 $0x1082  }
0x22: {  	[simem:s7], [sflag:s8] =	dma.local @!p0 [hbm:s6], $0xF7A  }
0x23: {  	s9 =	sor.u32 $0xD0000000, s2;
	s6 =	simm.s32 $0x108;
	_ =	swait.ge @!p0 [sflag:s8], $0x0  }
0x24: {  	s3 =	sadd.s32 $0x88, s3;
	s6 =	simm.s32 @!p1 $0x1082;
	[sflag:s4] =	ssyncset.s32 $0xFFFFF086  }
0x25: {  	[simem:s6], [sflag:s4] =	dma.local [hbm:s3], $0xF7A  }
0x26: {  	[smem:$0x3FA0] =	sst s1;
	(tag) =	ssettag s2;
	_ =	strace s9  }
0x27: {  	s1 =	sld [smem:$0x3FB0]  }
0x28: {  	s2 =	sld [smem:$0x3FB1]  }
0x29: {  	s4 =	sld [smem:$0x3FB3]  }
0x2a: {  	p0 =	seq.s32 s5, $0x0;
	s5 =	sld [smem:$0x3FB4]  }
0x2b: {  	s6 =	sld [smem:$0x3FB5]  }
0x2c: {  	s7 =	sld [smem:$0x3FB6]  }
0x2d: {  	s3 =	simm.s32 $0x108;
	s8 =	sld [smem:$0x3FB7]  }
0x2e: {  	s3 =	simm.s32 @!p0 $0x1082;
	s9 =	sld [smem:$0x3FB8]  }
0x2f: {  	lr =	sadd.s32 s0, s3;
	s0 =	sld [smem:$0x3FAF]  }
0x30: {  	s3 =	sld [smem:$0x3FB2]  }
0x31: {  	[smem:$0x3FBB] =	sst s10  }
0x32: {  	s10 =	sld [smem:$0x3FB9];
	_ =	sdelay $0x3  }
0x33: {  	p0 =	seq.s32 s10, $0x1;
	s10 =	sld [smem:$0x3FBB];
	_ =	sdelay $0x3  }
0x34: {  	[smem:$0x3FBB] =	sst s10  }
0x35: {  	s10 =	sld [smem:$0x3FBA];
	_ =	sdelay $0x3  }
0x36: {  	p1 =	seq.s32 s10, $0x1;
	s10 =	sld [smem:$0x3FBB];
	_ =	sdelay $0x3  }
0x37: {  	[smem:$0x3FBB] =	sst s10  }
0x38: {  	s10 =	sld [smem:$0x3FBC]  }
0x39: {  	_ = 	snop;
	(pc) =	sbr.ind lr, $3  }
0x3a: {  	_ = 	snop  }
0x3b: {  	_ = 	snop  }
0x3c: {  	p2 =	seq.s32 s10, $0x1;
	s10 =	sld [smem:$0x3FBB]  }
0x3d: {  	_ =	shalt  }
0x3e: {  	_ =	shalt  }
0x3f: {  	_ =	shalt  }
0x40: {  	_ =	shalt  }
0x41: {  	_ =	shalt  }
0x42: {  	_ =	shalt  }
0x43: {  	_ =	shalt  }
0x44: {  	_ =	shalt  }
0x45: {  	_ =	shalt  }
0x46: {  	_ =	shalt  }
0x47: {  	_ =	shalt  }
0x48: {  	_ =	shalt  }
0x49: {  	_ =	shalt  }
0x4a: {  	_ =	shalt  }
0x4b: {  	_ =	shalt  }
0x4c: {  	_ =	shalt  }
0x4d: {  	_ =	shalt  }
0x4e: {  	_ =	shalt  }
0x4f: {  	_ =	shalt  }
0x50: {  	_ =	shalt  }
0x51: {  	_ =	shalt  }
0x52: {  	_ =	shalt  }
0x53: {  	_ =	shalt  }
0x54: {  	_ =	shalt  }
0x55: {  	_ =	shalt  }
0x56: {  	_ =	shalt  }
0x57: {  	_ =	shalt  }
0x58: {  	_ =	shalt  }
0x59: {  	_ =	shalt  }
0x5a: {  	_ =	shalt  }
0x5b: {  	_ =	shalt  }
0x5c: {  	_ =	shalt  }
0x5d: {  	_ =	shalt  }
0x5e: {  	_ =	shalt  }
0x5f: {  	_ =	shalt  }
0x60: {  	_ =	shalt  }
0x61: {  	_ =	shalt  }
0x62: {  	_ =	shalt  }
0x63: {  	_ =	shalt  }
0x64: {  	_ =	shalt  }
0x65: {  	_ =	shalt  }
0x66: {  	_ =	shalt  }
0x67: {  	_ =	shalt  }
0x68: {  	_ =	shalt  }
0x69: {  	_ =	shalt  }
0x6a: {  	_ =	shalt  }
0x6b: {  	_ =	shalt  }
0x6c: {  	_ =	shalt  }
0x6d: {  	_ =	shalt  }
0x6e: {  	_ =	shalt  }
0x6f: {  	_ =	shalt  }
0x70: {  	_ =	shalt  }
0x71: {  	_ =	shalt  }
0x72: {  	_ =	shalt  }
0x73: {  	_ =	shalt  }
0x74: {  	_ =	shalt  }
0x75: {  	_ =	shalt  }
0x76: {  	_ =	shalt  }
0x77: {  	_ =	shalt  }
0x78: {  	_ =	shalt  }
0x79: {  	_ =	shalt  }
0x7a: {  	_ =	shalt  }
0x7b: {  	_ =	shalt  }
0x7c: {  	_ =	shalt  }
0x7d: {  	_ =	shalt  }
0x7e: {  	_ =	shalt  }
0x7f: {  	_ =	shalt  }
0x80: {  	_ =	shalt  }
0x81: {  	_ =	shalt  }
0x82: {  	_ =	shalt  }
0x83: {  	_ =	shalt  }
0x84: {  	_ =	shalt  }
0x85: {  	_ =	shalt  }
0x86: {  	_ =	shalt  }
0x87: {  	_ =	shalt  }
.Lfunc_end0:
.L_simem_size_0:
called_computation_lowered:
.L_overlay_start_0:
0x88: {  	s2 =	sld [smem:$0x3FD9]  }
0x89: {  	s3 =	sld [smem:$0x3FFE];
	_ =	sdelay $0x1  }
0x8a: {  	s1 =	srdreg.scid  }
0x8b: {  	s0 =	sand.u32 $0x1, s1  }
0x8c: {  	s18 =	sshll.u32 s0, $0xA;
	s2 =	sadd.s32 s3, s2  }
0x8d: {  	s2 =	sadd.s32 s2, s18  }
0x8e: {  	[smem:$0x3FC7] =	sst s2  }
0x8f: {  	_ = 	snop  }
0x90: {  	s2 =	sld [smem:$0x3FC9]  }
0x91: {  	s19 =	sld [smem:$0x3FD0];
	(tm) =	ssettm $0x1  }
0x92: {  	s4 =	sld [smem:$0x3FFB];
	_ =	sdelay $0x3  }
0x93: {  	_ =	strace s4  }
0x94: {  	s4 =	sld [smem:$0x3FFC];
	_ =	sdelay $0x3  }
0x95: {  	_ =	strace s4  }
0x96: {  	s4 =	sld [smem:$0x3FFD];
	_ =	sdelay $0x3  }
0x97: {  	_ =	strace s4  }
0x98: {  	_ =	strace $0x8FFFFFFF  }
0x99: {  	s20 =	sld [smem:$0x3FDB];
	_ =	sdelay $0x1  }
0x9a: {  	s5 =	simm.s32 $_scs_section_size  }
0x9b: {  	s6 =	simm.s32 $_size__tile_overlayer_lowered;
	s7 =	simm.s32 $_tile_overlayer_lowered  }
0x9c: {  	s23 =	simm.s32 $0x1BFF;
	s22 =	sshll.u32 s7, $0x1;
	s4 =	sadd.s32 s5, s20  }
0x9d: {  	s8 =	simm.s32 $0x0;
	s21 =	sshll.u32 s6, $0x1;
	s6 =	sadd.s32 s22, s4  }
0x9e: {  	[timem:s8], [sflag:s23] =	dma.local [hbm:s6], s21  }
0x9f: {  	_ =	swait.ge [sflag:s23], s21  }
0xa0: {  	s5 =	ssub.s32 $0x0, s21;
	[sflag:s23] =	ssyncset.done $0x0  }
0xa1: {  	[sflag:s23] =	ssyncadd.s32 s5;
	_ =	sdelay $0x1  }
0xa2: {  	s24 =	simm.s32 $0x1B8B  }
0xa3: {  	_ =	swait.ge [sflag:s24], $0x1  }
0xa4: {  	[sflag:s24] =	ssyncset.done $0x0  }
0xa5: {  	s25 =	simm.s32 $0x1B8E;
	[sflag:s24] =	ssyncadd.s32 $0xFFFFFFFF  }
0xa6: {  	s26 =	simm.s32 $execute0_lowered;
	[smem:$0x3FD2] =	sst s25  }
0xa7: {  	s5 =	sshll.u32 s26, $0x1;
	_ =	strace $0x80000046;
	[dreg:$0x1] =	wrdreg $0xFFFFFFFF  }
0xa8: {  	s28 =	simm.s32 $_size_execute0_lowered;
	s4 =	sadd.s32 s4, s5;
	[dreg:$0x0] =	wrdreg $0x0  }
0xa9: {  	s5 =	sshll.u32 s28, $0x1;
	[dreg:$0x2] =	wrdreg s4  }
0xaa: {  	[dreg:$0x3] =	wrdreg s5  }
0xab: {  	[dreg:$0x4] =	wrdreg $0xC0  }
0xac: {  	_ =	task [dreg:s8], $0x5FFFF  }
0xad: {  	[dreg:$0x1] =	wrdreg $0xFFFFFFFF  }
0xae: {  	[dreg:$0x0] =	wrdreg $0x60  }
0xaf: {  	[dreg:$0x2] =	wrdreg s2  }
0xb0: {  	[dreg:$0x3] =	wrdreg s19  }
0xb1: {  	[dreg:$0x4] =	wrdreg $0x9  }
0xb2: {  	_ =	task.clear_ibuf [dreg:s8], $0x5FFFF;
	_ =	strace $0x90000046  }
0xb3: {  	s29 =	simm.s32 $0x9;
	_ =	strace $0x80000048  }
0xb4: {  	_ =	swait.ge [sflag:s29], $0x1  }
0xb5: {  	[sflag:s29] =	ssyncadd.s32 $0xFFFFFFFF  }
0xb6: {  	_ =	strace $0x90000048  }
0xb7: {  	_ =	sfence  }
0xb8: {  	s30 =	sld [smem:$0x0];
	_ =	sdelay $0x2  }
0xb9: {  	s31 =	sshll.u32 s1, $0xD;
	s1 =	sshrl.u32 s1, $0x2  }
0xba: {  	s3 =	sand.u32 $0x4000, s31;
	s1 =	sadd.s32 s1, s30  }
0xbb: {  	s0 =	sor.u32 s3, s0;
	s1 =	sshll.u32 s1, $0x11  }
0xbc: {  	s0 =	sor.u32 s1, s0  }
0xbd: {  	s0 =	sadd.s32 $0x8F2B, s0  }
0xbe: {  	[sflag:s0] =	ssyncadd.remote.s32 $0x1  }
0xbf: {  	_ =	sfence.sel $0xFFFF  }
0xc0: {  	[dreg:$0x0] =	wrdreg $0xFFFFFFFF;
	(pc) =	sbr.abs _section_cstart, $3  }
0xc1: {  	[dreg:$0x1] =	wrdreg $0xFFFFFFFF  }
0xc2: {  	_ =	task.clear_ibuf [dreg:s8], $0x2FFFF;
	_ =	strace $0x9FFFFFFF  }
0xc3: {  	(tm) =	ssettm $0x7FFFFFFF  }
tec
execute0_lowered:
.L_overlay_start_1:
0x0: {  	(tag) =	ssettag $0x1  }
0x1: {  	s1 =	srdreg.scid  }
0x2: {  	s3 =	rddreg [dreg:$0x0];
	s4 =	stileid.u32;
	s5 =	sand.u32 $0x1, s1  }
0x3: {  	s2 =	simm.s32 $0x0;
	s19 =	sshll.u32 s4, $0x12;
	s20 =	sshll.u32 s5, $0x11  }
0x4: {  	[smem:$0x7FF] =	sst s2;
	s4 =	sor.u32 s20, s19  }
0x5: {  	s0 =	rddreg [dreg:$0x1];
	_ =	strace $0x80000047;
	s1 =	sadd.s32 s3, s4  }
0x6: {  	s6 =	sor.u32 $0x1000, s4;
	s22 =	sadd.s32 s0, s4;
	[dreg:$0x3] =	wrdreg s1  }
0x7: {  	s7 =	sor.u32 $0x2000, s4;
	s21 =	sadd.s32 s3, s6;
	[dreg:$0x5] =	wrdreg s22  }
0x8: {  	s23 =	sadd.s32 s3, s7;
	[dreg:$0x4] =	wrdreg s21  }
0x9: {  	s25 =	sor.u32 $0x3000, s4;
	s24 =	sadd.s32 s0, s6;
	[dreg:$0x6] =	wrdreg s23  }
0xa: {  	s26 =	sadd.s32 s3, s25;
	[dreg:$0x7] =	wrdreg s24  }
0xb: {  	s8 =	sor.u32 $0x4000, s4;
	s7 =	sadd.s32 s0, s7;
	[dreg:$0x8] =	wrdreg s26  }
0xc: {  	s9 =	sadd.s32 s3, s8;
	[dreg:$0x9] =	wrdreg s7  }
0xd: {  	s11 =	sor.u32 $0x5000, s4;
	s10 =	sadd.s32 s0, s25;
	[dreg:$0xa] =	wrdreg s9  }
0xe: {  	s12 =	sadd.s32 s3, s11;
	[dreg:$0xb] =	wrdreg s10  }
0xf: {  	s14 =	sor.u32 $0x6000, s4;
	s13 =	sadd.s32 s0, s8;
	[dreg:$0xc] =	wrdreg s12  }
0x10: {  	s15 =	sadd.s32 s3, s14;
	[dreg:$0xd] =	wrdreg s13  }
0x11: {  	s17 =	sor.u32 $0x7000, s4;
	s16 =	sadd.s32 s0, s11;
	[dreg:$0xe] =	wrdreg s15  }
0x12: {  	s18 =	sadd.s32 s3, s17;
	[dreg:$0xf] =	wrdreg s16  }
0x13: {  	s19 =	sadd.s32 s0, s14;
	[dreg:$0x10] =	wrdreg s18  }
0x14: {  	s20 =	sor.u32 $0x8000, s4;
	s22 =	sadd.s32 s0, s17;
	[dreg:$0x11] =	wrdreg s19  }
0x15: {  	s25 =	sadd.s32 s0, s20;
	[dreg:$0x13] =	wrdreg s22  }
0x16: {  	[dreg:$0x15] =	wrdreg s25  }
0x17: {  	s21 =	sadd.s32 s3, s20;
	s23 =	sor.u32 $0x9000, s4;
	s1 =	rddreg [dreg:$0x3]  }
0x18: {  	s26 =	sor.u32 $0xA000, s4;
	[dreg:$0x12] =	wrdreg s21;
	s24 =	sadd.s32 s3, s23  }
0x19: {  	s8 =	sadd.s32 s3, s26;
	[dreg:$0x14] =	wrdreg s24  }
0x1a: {  	s10 =	sor.u32 $0xB000, s4;
	s9 =	sadd.s32 s0, s23;
	[dreg:$0x16] =	wrdreg s8  }
0x1b: {  	s11 =	sadd.s32 s3, s10;
	[dreg:$0x17] =	wrdreg s9  }
0x1c: {  	s13 =	sor.u32 $0xC000, s4;
	s12 =	sadd.s32 s0, s26;
	[dreg:$0x18] =	wrdreg s11  }
0x1d: {  	s14 =	sadd.s32 s3, s13;
	[dreg:$0x19] =	wrdreg s12  }
0x1e: {  	s16 =	sor.u32 $0xD000, s4;
	s15 =	sadd.s32 s0, s10;
	[dreg:$0x1a] =	wrdreg s14  }
0x1f: {  	p0 =	por $0x0, $0x0;
	s17 =	sadd.s32 s3, s16;
	[dreg:$0x1b] =	wrdreg s15  }
0x20: {  	s19 =	sor.u32 $0xE000, s4;
	s18 =	sadd.s32 s0, s13;
	[dreg:$0x1c] =	wrdreg s17  }
0x21: {  	s5 =	ssub.s32 $0x2, s5;
	s20 =	sadd.s32 s3, s19;
	[dreg:$0x1d] =	wrdreg s18  }
0x22: {  	s22 =	sor.u32 $0xF000, s4;
	s21 =	sadd.s32 s0, s16;
	[dreg:$0x1e] =	wrdreg s20  }
0x23: {  	s25 =	sor.u32 $0x10000, s4;
	s23 =	sadd.s32 s3, s22;
	[dreg:$0x1f] =	wrdreg s21  }
0x24: {  	s6 =	sor.u32 $0x19000, s4;
	s26 =	sadd.s32 s3, s25;
	[smem:$0x7EF] =	sst s23  }
0x25: {  	s7 =	simm.s32 $0x5;
	s24 =	sadd.s32 s0, s19;
	[smem:$0x7F1] =	sst s26  }
0x26: {  	s8 =	sadd.s32 s0, s22;
	s9 =	sor.u32 $0x11000, s4;
	s11 =	sadd.s32 s0, s25  }
0x27: {  	s12 =	sor.u32 $0x12000, s4;
	s15 =	sor.u32 $0x13000, s4;
	[smem:$0x7F0] =	sst s24  }
0x28: {  	s18 =	sor.u32 $0x14000, s4;
	s21 =	sor.u32 $0x15000, s4;
	[smem:$0x7F2] =	sst s8  }
0x29: {  	s26 =	sor.u32 $0x17000, s4;
	s10 =	sadd.s32 s3, s9;
	[smem:$0x7F4] =	sst s11  }
0x2a: {  	s13 =	sadd.s32 s3, s12;
	s14 =	sadd.s32 s0, s9;
	[smem:$0x7F3] =	sst s10  }
0x2b: {  	s16 =	sadd.s32 s3, s15;
	s17 =	sadd.s32 s0, s12;
	[smem:$0x7F5] =	sst s13  }
0x2c: {  	s8 =	sshrl.u32 s5, $0x1;
	s19 =	sadd.s32 s3, s18;
	[smem:$0x7F6] =	sst s14  }
0x2d: {  	s20 =	sadd.s32 s0, s15;
	s22 =	sadd.s32 s3, s21;
	[smem:$0x7F7] =	sst s16  }
0x2e: {  	s23 =	sadd.s32 s0, s18;
	s24 =	sor.u32 $0x16000, s4;
	[smem:$0x7F8] =	sst s17  }
0x2f: {  	s31 =	sadd.s32 s0, s21;
	s30 =	sadd.s32 s3, s26;
	[smem:$0x7F9] =	sst s19  }
0x30: {  	s26 =	sadd.s32 s0, s26;
	s11 =	sor.u32 $0x1C000, s4;
	[smem:$0x7FA] =	sst s20  }
0x31: {  	s12 =	sor.u32 $0x1D000, s4;
	s9 =	ssub.s32 s5, s8;
	[smem:$0x7FB] =	sst s22  }
0x32: {  	[smem:$0x7FC] =	sst s23;
	s25 =	sadd.s32 s3, s24;
	s29 =	sadd.s32 s0, s24  }
0x33: {  	s5 =	sor.u32 $0x18000, s4;
	s8 =	sor.u32 $0x1A000, s4;
	s10 =	sor.u32 $0x1B000, s4  }
0x34: {  	s22 =	sadd.s32 s0, s6;
	s18 =	sadd.s32 s3, s11;
	s15 =	sadd.s32 s3, s12  }
0x35: {  	s14 =	sadd.s32 s0, s11;
	s17 =	sor.u32 $0x1E000, s4;
	s4 =	sor.u32 $0x1F000, s4  }
0x36: {  	s11 =	sadd.s32 s0, s12;
	s12 =	simm.s32 $0x2;
	[smem:$0x7FD] =	sst s25  }
0x37: {  	s28 =	sadd.s32 s3, s5;
	s25 =	sadd.s32 s3, s6;
	s20 =	smax.u32 s9, $0x1  }
0x38: {  	s24 =	sadd.s32 s0, s5;
	s23 =	sadd.s32 s3, s8;
	p1 =	sne.s32 s20, $0x1  }
.Ltmp0:
0x39: {  	s21 =	sadd.s32 s3, s10;
	s19 =	sadd.s32 s0, s8;
	(pc) =	sbr.rel @!p1 .LBB2_3-.Ltmp0, $4  }
0x3a: {  	s16 =	sadd.s32 s0, s10;
	s13 =	sadd.s32 s3, s17;
	s8 =	sadd.s32 s3, s4  }
0x3b: {  	s5 =	sadd.s32 s0, s17;
	s3 =	sadd.s32 s0, s4;
	s4 =	simm.s32 $0x8000  }
0x3c: {  	s10 =	simm.s32 $0x1;
	s17 =	simm.s32 $0x10000;
	s9 =	simm.s32 $0x4  }
0x3d: {  	s6 =	simm.s32 $0x6;
	s0 =	sadd.s32 $0xFFFFFFFF, s20;
	s20 =	simm.s32 $0x3  }
0x3e: {  	[smem:$0x7EE] =	sst s0  }
0x3f: {  	[tilespmem:s2], [sflag:$0x1] =	stream.linear.gather [hbm4b:s1+s2], $0x8000, $0x38;
	[tilespmem:$0x18000] =	vst v63  }
0x40: {  	s0 =	rddreg [dreg:$0x4]  }
0x41: {  	[tilespmem:s4], [sflag:$0x2] =	stream.linear.gather [hbm4b:s0+s2], $0x8000, $0x38;
	[tilespmem:$0x18000] =	vst v63  }
0x42: {  	_ =	swait.ge [sflag:s10], $0x8000  }
0x43: {  	[sflag:s10] =	ssyncset.done $0x0  }
0x44: {  	s0 =	rddreg [dreg:$0x5];
	[sflag:s10] =	ssyncadd.s32 $0xFFFF8000  }
0x45: {  	[hbm4b:s0+s2] =	stream.linear.scatter [tilespmem:s2], [sflag:$0x4], $0x8000, $0x38;
	[tilespmem:$0x18000] =	vst v63  }
0x46: {  	s1 =	rddreg [dreg:$0x6]  }
0x47: {  	[tilespmem:s17], [sflag:$0x3] =	stream.linear.gather [hbm4b:s1+s2], $0x8000, $0x38;
	[tilespmem:$0x18000] =	vst v63  }
0x48: {  	_ =	swait.ge [sflag:s12], $0x8000  }
0x49: {  	[sflag:s12] =	ssyncset.done $0x0  }
0x4a: {  	s1 =	rddreg [dreg:$0x7];
	[sflag:s12] =	ssyncadd.s32 $0xFFFF8000  }
0x4b: {  	[hbm4b:s1+s2] =	stream.linear.scatter [tilespmem:s4], [sflag:$0x5], $0x8000, $0x38;
	[tilespmem:$0x18000] =	vst v63  }
0x4c: {  	_ =	swait.ge [sflag:s9], $0x8000  }
0x4d: {  	[sflag:s9] =	ssyncset.done $0x0  }
0x4e: {  	s1 =	rddreg [dreg:$0x8];
	[sflag:s9] =	ssyncadd.s32 $0xFFFF8000  }
0x4f: {  	[tilespmem:s2], [sflag:$0x1] =	stream.linear.gather [hbm4b:s1+s2], $0x8000, $0x38;
	[tilespmem:$0x18000] =	vst v63  }
0x50: {  	_ =	swait.ge [sflag:s20], $0x8000  }
0x51: {  	[sflag:s20] =	ssyncset.done $0x0  }
0x52: {  	s1 =	rddreg [dreg:$0x9];
	[sflag:s20] =	ssyncadd.s32 $0xFFFF8000  }
0x53: {  	[hbm4b:s1+s2] =	stream.linear.scatter [tilespmem:s17], [sflag:$0x6], $0x8000, $0x38;
	[tilespmem:$0x18000] =	vst v63  }
0x54: {  	_ =	swait.ge [sflag:s7], $0x8000  }
0x55: {  	[sflag:s7] =	ssyncset.done $0x0  }
0x56: {  	s1 =	rddreg [dreg:$0xa];
	[sflag:s7] =	ssyncadd.s32 $0xFFFF8000  }
0x57: {  	[tilespmem:s4], [sflag:$0x2] =	stream.linear.gather [hbm4b:s1+s2], $0x8000, $0x38;
	[tilespmem:$0x18000] =	vst v63  }
0x58: {  	_ =	swait.ge [sflag:s10], $0x8000  }
0x59: {  	[sflag:s10] =	ssyncset.done $0x0  }
0x5a: {  	s1 =	rddreg [dreg:$0xb];
	[sflag:s10] =	ssyncadd.s32 $0xFFFF8000  }
0x5b: {  	[hbm4b:s1+s2] =	stream.linear.scatter [tilespmem:s2], [sflag:$0x4], $0x8000, $0x38;
	[tilespmem:$0x18000] =	vst v63  }
0x5c: {  	_ =	swait.ge [sflag:s6], $0x8000  }
0x5d: {  	[sflag:s6] =	ssyncset.done $0x0  }
0x5e: {  	s1 =	rddreg [dreg:$0xc];
	[sflag:s6] =	ssyncadd.s32 $0xFFFF8000  }
0x5f: {  	[tilespmem:s17], [sflag:$0x3] =	stream.linear.gather [hbm4b:s1+s2], $0x8000, $0x38;
	[tilespmem:$0x18000] =	vst v63  }
0x60: {  	_ =	swait.ge [sflag:s12], $0x8000  }
0x61: {  	[sflag:s12] =	ssyncset.done $0x0  }
0x62: {  	s1 =	rddreg [dreg:$0xd];
	[sflag:s12] =	ssyncadd.s32 $0xFFFF8000  }
0x63: {  	[hbm4b:s1+s2] =	stream.linear.scatter [tilespmem:s4], [sflag:$0x5], $0x8000, $0x38;
	[tilespmem:$0x18000] =	vst v63  }
0x64: {  	_ =	swait.ge [sflag:s9], $0x8000  }
0x65: {  	[sflag:s9] =	ssyncset.done $0x0  }
0x66: {  	s1 =	rddreg [dreg:$0xe];
	[sflag:s9] =	ssyncadd.s32 $0xFFFF8000  }
0x67: {  	[tilespmem:s2], [sflag:$0x1] =	stream.linear.gather [hbm4b:s1+s2], $0x8000, $0x38;
	[tilespmem:$0x18000] =	vst v63  }
0x68: {  	_ =	swait.ge [sflag:s20], $0x8000  }
0x69: {  	[sflag:s20] =	ssyncset.done $0x0  }
0x6a: {  	s1 =	rddreg [dreg:$0xf];
	[sflag:s20] =	ssyncadd.s32 $0xFFFF8000  }
0x6b: {  	[hbm4b:s1+s2] =	stream.linear.scatter [tilespmem:s17], [sflag:$0x6], $0x8000, $0x38;
	[tilespmem:$0x18000] =	vst v63  }
0x6c: {  	_ =	swait.ge [sflag:s7], $0x8000  }
0x6d: {  	[sflag:s7] =	ssyncset.done $0x0  }
0x6e: {  	s1 =	rddreg [dreg:$0x10];
	[sflag:s7] =	ssyncadd.s32 $0xFFFF8000  }
0x6f: {  	[tilespmem:s4], [sflag:$0x2] =	stream.linear.gather [hbm4b:s1+s2], $0x8000, $0x38;
	[tilespmem:$0x18000] =	vst v63  }
0x70: {  	_ =	swait.ge [sflag:s10], $0x8000  }
0x71: {  	[sflag:s10] =	ssyncset.done $0x0  }
0x72: {  	s1 =	rddreg [dreg:$0x11];
	[sflag:s10] =	ssyncadd.s32 $0xFFFF8000  }
0x73: {  	[hbm4b:s1+s2] =	stream.linear.scatter [tilespmem:s2], [sflag:$0x4], $0x8000, $0x38;
	[tilespmem:$0x18000] =	vst v63  }
0x74: {  	_ =	swait.ge [sflag:s6], $0x8000  }
0x75: {  	[sflag:s6] =	ssyncset.done $0x0  }
0x76: {  	s1 =	rddreg [dreg:$0x12];
	[sflag:s6] =	ssyncadd.s32 $0xFFFF8000  }
0x77: {  	[tilespmem:s17], [sflag:$0x3] =	stream.linear.gather [hbm4b:s1+s2], $0x8000, $0x38;
	[tilespmem:$0x18000] =	vst v63  }
0x78: {  	_ =	swait.ge [sflag:s12], $0x8000  }
0x79: {  	[sflag:s12] =	ssyncset.done $0x0  }
0x7a: {  	s1 =	rddreg [dreg:$0x13];
	[sflag:s12] =	ssyncadd.s32 $0xFFFF8000  }
0x7b: {  	[hbm4b:s1+s2] =	stream.linear.scatter [tilespmem:s4], [sflag:$0x5], $0x8000, $0x38;
	[tilespmem:$0x18000] =	vst v63  }
0x7c: {  	_ =	swait.ge [sflag:s9], $0x8000  }
0x7d: {  	[sflag:s9] =	ssyncset.done $0x0  }
0x7e: {  	s1 =	rddreg [dreg:$0x14];
	[sflag:s9] =	ssyncadd.s32 $0xFFFF8000  }
0x7f: {  	[tilespmem:s2], [sflag:$0x1] =	stream.linear.gather [hbm4b:s1+s2], $0x8000, $0x38;
	[tilespmem:$0x18000] =	vst v63  }
0x80: {  	_ =	swait.ge [sflag:s20], $0x8000  }
0x81: {  	[sflag:s20] =	ssyncset.done $0x0  }
0x82: {  	s1 =	rddreg [dreg:$0x15];
	[sflag:s20] =	ssyncadd.s32 $0xFFFF8000  }
0x83: {  	[hbm4b:s1+s2] =	stream.linear.scatter [tilespmem:s17], [sflag:$0x6], $0x8000, $0x38;
	[tilespmem:$0x18000] =	vst v63  }
0x84: {  	_ =	swait.ge [sflag:s7], $0x8000  }
0x85: {  	[sflag:s7] =	ssyncset.done $0x0  }
0x86: {  	s1 =	rddreg [dreg:$0x16];
	[sflag:s7] =	ssyncadd.s32 $0xFFFF8000  }
0x87: {  	[tilespmem:s4], [sflag:$0x2] =	stream.linear.gather [hbm4b:s1+s2], $0x8000, $0x38;
	[tilespmem:$0x18000] =	vst v63  }
0x88: {  	_ =	swait.ge [sflag:s10], $0x8000  }
0x89: {  	[sflag:s10] =	ssyncset.done $0x0  }
0x8a: {  	s1 =	rddreg [dreg:$0x17];
	[sflag:s10] =	ssyncadd.s32 $0xFFFF8000  }
0x8b: {  	[hbm4b:s1+s2] =	stream.linear.scatter [tilespmem:s2], [sflag:$0x4], $0x8000, $0x38;
	[tilespmem:$0x18000] =	vst v63  }
0x8c: {  	_ =	swait.ge [sflag:s6], $0x8000  }
0x8d: {  	[sflag:s6] =	ssyncset.done $0x0  }
0x8e: {  	s1 =	rddreg [dreg:$0x18];
	[sflag:s6] =	ssyncadd.s32 $0xFFFF8000  }
0x8f: {  	[tilespmem:s17], [sflag:$0x3] =	stream.linear.gather [hbm4b:s1+s2], $0x8000, $0x38;
	[tilespmem:$0x18000] =	vst v63  }
0x90: {  	_ =	swait.ge [sflag:s12], $0x8000  }
0x91: {  	[sflag:s12] =	ssyncset.done $0x0  }
0x92: {  	s1 =	rddreg [dreg:$0x19];
	[sflag:s12] =	ssyncadd.s32 $0xFFFF8000  }
0x93: {  	[hbm4b:s1+s2] =	stream.linear.scatter [tilespmem:s4], [sflag:$0x5], $0x8000, $0x38;
	[tilespmem:$0x18000] =	vst v63  }
0x94: {  	_ =	swait.ge [sflag:s9], $0x8000  }
0x95: {  	[sflag:s9] =	ssyncset.done $0x0  }
0x96: {  	s1 =	rddreg [dreg:$0x1a];
	[sflag:s9] =	ssyncadd.s32 $0xFFFF8000  }
0x97: {  	[tilespmem:s2], [sflag:$0x1] =	stream.linear.gather [hbm4b:s1+s2], $0x8000, $0x38;
	[tilespmem:$0x18000] =	vst v63  }
0x98: {  	_ =	swait.ge [sflag:s20], $0x8000  }
0x99: {  	[sflag:s20] =	ssyncset.done $0x0  }
0x9a: {  	s1 =	rddreg [dreg:$0x1b];
	[sflag:s20] =	ssyncadd.s32 $0xFFFF8000  }
0x9b: {  	[hbm4b:s1+s2] =	stream.linear.scatter [tilespmem:s17], [sflag:$0x6], $0x8000, $0x38;
	[tilespmem:$0x18000] =	vst v63  }
0x9c: {  	_ =	swait.ge [sflag:s7], $0x8000  }
0x9d: {  	[sflag:s7] =	ssyncset.done $0x0  }
0x9e: {  	s1 =	rddreg [dreg:$0x1c];
	[sflag:s7] =	ssyncadd.s32 $0xFFFF8000  }
0x9f: {  	[tilespmem:s4], [sflag:$0x2] =	stream.linear.gather [hbm4b:s1+s2], $0x8000, $0x38;
	[tilespmem:$0x18000] =	vst v63  }
0xa0: {  	_ =	swait.ge [sflag:s10], $0x8000  }
0xa1: {  	[sflag:s10] =	ssyncset.done $0x0  }
0xa2: {  	s1 =	rddreg [dreg:$0x1d];
	[sflag:s10] =	ssyncadd.s32 $0xFFFF8000  }
0xa3: {  	[hbm4b:s1+s2] =	stream.linear.scatter [tilespmem:s2], [sflag:$0x4], $0x8000, $0x38;
	[tilespmem:$0x18000] =	vst v63  }
0xa4: {  	_ =	swait.ge [sflag:s6], $0x8000  }
0xa5: {  	[sflag:s6] =	ssyncset.done $0x0  }
0xa6: {  	s1 =	rddreg [dreg:$0x1e];
	[sflag:s6] =	ssyncadd.s32 $0xFFFF8000  }
0xa7: {  	[tilespmem:s17], [sflag:$0x3] =	stream.linear.gather [hbm4b:s1+s2], $0x8000, $0x38;
	[tilespmem:$0x18000] =	vst v63  }
0xa8: {  	_ =	swait.ge [sflag:s12], $0x8000  }
0xa9: {  	[sflag:s12] =	ssyncset.done $0x0  }
0xaa: {  	s1 =	rddreg [dreg:$0x1f];
	[sflag:s12] =	ssyncadd.s32 $0xFFFF8000  }
0xab: {  	[hbm4b:s1+s2] =	stream.linear.scatter [tilespmem:s4], [sflag:$0x5], $0x8000, $0x38;
	[tilespmem:$0x18000] =	vst v63  }
0xac: {  	_ =	swait.ge [sflag:s9], $0x8000  }
0xad: {  	s1 =	sld [smem:$0x7EF]  }
0xae: {  	[sflag:s9] =	ssyncset.done $0x0  }
0xaf: {  	[sflag:s9] =	ssyncadd.s32 $0xFFFF8000  }
0xb0: {  	[tilespmem:s2], [sflag:$0x1] =	stream.linear.gather [hbm4b:s1+s2], $0x8000, $0x38;
	[tilespmem:$0x18000] =	vst v63  }
0xb1: {  	_ =	swait.ge [sflag:s20], $0x8000  }
0xb2: {  	s1 =	sld [smem:$0x7F0]  }
0xb3: {  	[sflag:s20] =	ssyncset.done $0x0  }
0xb4: {  	[sflag:s20] =	ssyncadd.s32 $0xFFFF8000  }
0xb5: {  	[hbm4b:s1+s2] =	stream.linear.scatter [tilespmem:s17], [sflag:$0x6], $0x8000, $0x38;
	[tilespmem:$0x18000] =	vst v63  }
0xb6: {  	_ =	swait.ge [sflag:s7], $0x8000  }
0xb7: {  	s1 =	sld [smem:$0x7F1]  }
0xb8: {  	[sflag:s7] =	ssyncset.done $0x0  }
0xb9: {  	[sflag:s7] =	ssyncadd.s32 $0xFFFF8000  }
0xba: {  	[tilespmem:s4], [sflag:$0x2] =	stream.linear.gather [hbm4b:s1+s2], $0x8000, $0x38;
	[tilespmem:$0x18000] =	vst v63  }
0xbb: {  	_ =	swait.ge [sflag:s10], $0x8000  }
0xbc: {  	s1 =	sld [smem:$0x7F2]  }
0xbd: {  	[sflag:s10] =	ssyncset.done $0x0  }
0xbe: {  	[sflag:s10] =	ssyncadd.s32 $0xFFFF8000  }
0xbf: {  	[hbm4b:s1+s2] =	stream.linear.scatter [tilespmem:s2], [sflag:$0x4], $0x8000, $0x38;
	[tilespmem:$0x18000] =	vst v63  }
0xc0: {  	_ =	swait.ge [sflag:s6], $0x8000  }
0xc1: {  	s1 =	sld [smem:$0x7F3]  }
0xc2: {  	[sflag:s6] =	ssyncset.done $0x0  }
0xc3: {  	[sflag:s6] =	ssyncadd.s32 $0xFFFF8000  }
0xc4: {  	[tilespmem:s17], [sflag:$0x3] =	stream.linear.gather [hbm4b:s1+s2], $0x8000, $0x38;
	[tilespmem:$0x18000] =	vst v63  }
0xc5: {  	_ =	swait.ge [sflag:s12], $0x8000  }
0xc6: {  	s1 =	sld [smem:$0x7F4]  }
0xc7: {  	[sflag:s12] =	ssyncset.done $0x0  }
0xc8: {  	[sflag:s12] =	ssyncadd.s32 $0xFFFF8000  }
0xc9: {  	[hbm4b:s1+s2] =	stream.linear.scatter [tilespmem:s4], [sflag:$0x5], $0x8000, $0x38;
	[tilespmem:$0x18000] =	vst v63  }
0xca: {  	_ =	swait.ge [sflag:s9], $0x8000  }
0xcb: {  	s1 =	sld [smem:$0x7F5]  }
0xcc: {  	[sflag:s9] =	ssyncset.done $0x0  }
0xcd: {  	[sflag:s9] =	ssyncadd.s32 $0xFFFF8000  }
0xce: {  	[tilespmem:s2], [sflag:$0x1] =	stream.linear.gather [hbm4b:s1+s2], $0x8000, $0x38;
	[tilespmem:$0x18000] =	vst v63  }
0xcf: {  	_ =	swait.ge [sflag:s20], $0x8000  }
0xd0: {  	s1 =	sld [smem:$0x7F6]  }
0xd1: {  	[sflag:s20] =	ssyncset.done $0x0  }
0xd2: {  	[sflag:s20] =	ssyncadd.s32 $0xFFFF8000  }
0xd3: {  	[hbm4b:s1+s2] =	stream.linear.scatter [tilespmem:s17], [sflag:$0x6], $0x8000, $0x38;
	[tilespmem:$0x18000] =	vst v63  }
0xd4: {  	_ =	swait.ge [sflag:s7], $0x8000  }
0xd5: {  	s1 =	sld [smem:$0x7F7]  }
0xd6: {  	[sflag:s7] =	ssyncset.done $0x0  }
0xd7: {  	[sflag:s7] =	ssyncadd.s32 $0xFFFF8000  }
0xd8: {  	[tilespmem:s4], [sflag:$0x2] =	stream.linear.gather [hbm4b:s1+s2], $0x8000, $0x38;
	[tilespmem:$0x18000] =	vst v63  }
0xd9: {  	_ =	swait.ge [sflag:s10], $0x8000  }
0xda: {  	s1 =	sld [smem:$0x7F8]  }
0xdb: {  	[sflag:s10] =	ssyncset.done $0x0  }
0xdc: {  	[sflag:s10] =	ssyncadd.s32 $0xFFFF8000  }
0xdd: {  	[hbm4b:s1+s2] =	stream.linear.scatter [tilespmem:s2], [sflag:$0x4], $0x8000, $0x38;
	[tilespmem:$0x18000] =	vst v63  }
0xde: {  	_ =	swait.ge [sflag:s6], $0x8000  }
0xdf: {  	s1 =	sld [smem:$0x7F9]  }
0xe0: {  	[sflag:s6] =	ssyncset.done $0x0  }
0xe1: {  	[sflag:s6] =	ssyncadd.s32 $0xFFFF8000  }
0xe2: {  	[tilespmem:s17], [sflag:$0x3] =	stream.linear.gather [hbm4b:s1+s2], $0x8000, $0x38;
	[tilespmem:$0x18000] =	vst v63  }
0xe3: {  	_ =	swait.ge [sflag:s12], $0x8000  }
0xe4: {  	s1 =	sld [smem:$0x7FA]  }
0xe5: {  	[sflag:s12] =	ssyncset.done $0x0  }
0xe6: {  	[sflag:s12] =	ssyncadd.s32 $0xFFFF8000  }
0xe7: {  	[hbm4b:s1+s2] =	stream.linear.scatter [tilespmem:s4], [sflag:$0x5], $0x8000, $0x38;
	[tilespmem:$0x18000] =	vst v63  }
0xe8: {  	_ =	swait.ge [sflag:s9], $0x8000  }
0xe9: {  	s1 =	sld [smem:$0x7FB]  }
0xea: {  	[sflag:s9] =	ssyncset.done $0x0  }
0xeb: {  	[sflag:s9] =	ssyncadd.s32 $0xFFFF8000  }
0xec: {  	[tilespmem:s2], [sflag:$0x1] =	stream.linear.gather [hbm4b:s1+s2], $0x8000, $0x38;
	[tilespmem:$0x18000] =	vst v63  }
0xed: {  	_ =	swait.ge [sflag:s20], $0x8000  }
0xee: {  	s1 =	sld [smem:$0x7FC]  }
0xef: {  	[sflag:s20] =	ssyncset.done $0x0  }
0xf0: {  	[sflag:s20] =	ssyncadd.s32 $0xFFFF8000  }
0xf1: {  	[hbm4b:s1+s2] =	stream.linear.scatter [tilespmem:s17], [sflag:$0x6], $0x8000, $0x38;
	[tilespmem:$0x18000] =	vst v63  }
0xf2: {  	_ =	swait.ge [sflag:s7], $0x8000  }
0xf3: {  	s1 =	sld [smem:$0x7FD]  }
0xf4: {  	[sflag:s7] =	ssyncset.done $0x0  }
0xf5: {  	[sflag:s7] =	ssyncadd.s32 $0xFFFF8000  }
0xf6: {  	[tilespmem:s4], [sflag:$0x2] =	stream.linear.gather [hbm4b:s1+s2], $0x8000, $0x38;
	[tilespmem:$0x18000] =	vst v63  }
0xf7: {  	_ =	swait.ge [sflag:s10], $0x8000  }
0xf8: {  	[sflag:s10] =	ssyncset.done $0x0  }
0xf9: {  	[sflag:s10] =	ssyncadd.s32 $0xFFFF8000  }
0xfa: {  	[hbm4b:s31+s2] =	stream.linear.scatter [tilespmem:s2], [sflag:$0x4], $0x8000, $0x38;
	[tilespmem:$0x18000] =	vst v63  }
0xfb: {  	_ =	swait.ge [sflag:s6], $0x8000  }
0xfc: {  	[sflag:s6] =	ssyncset.done $0x0  }
0xfd: {  	[sflag:s6] =	ssyncadd.s32 $0xFFFF8000  }
0xfe: {  	[tilespmem:s17], [sflag:$0x3] =	stream.linear.gather [hbm4b:s30+s2], $0x8000, $0x38;
	[tilespmem:$0x18000] =	vst v63  }
0xff: {  	_ =	swait.ge [sflag:s12], $0x8000  }
0x100: {  	[sflag:s12] =	ssyncset.done $0x0  }
0x101: {  	[sflag:s12] =	ssyncadd.s32 $0xFFFF8000  }
0x102: {  	[hbm4b:s29+s2] =	stream.linear.scatter [tilespmem:s4], [sflag:$0x5], $0x8000, $0x38;
	[tilespmem:$0x18000] =	vst v63  }
0x103: {  	_ =	swait.ge [sflag:s9], $0x8000  }
0x104: {  	[sflag:s9] =	ssyncset.done $0x0  }
0x105: {  	[sflag:s9] =	ssyncadd.s32 $0xFFFF8000  }
0x106: {  	[tilespmem:s2], [sflag:$0x1] =	stream.linear.gather [hbm4b:s28+s2], $0x8000, $0x38;
	[tilespmem:$0x18000] =	vst v63  }
0x107: {  	_ =	swait.ge [sflag:s20], $0x8000  }
0x108: {  	[sflag:s20] =	ssyncset.done $0x0  }
0x109: {  	[sflag:s20] =	ssyncadd.s32 $0xFFFF8000  }
0x10a: {  	[hbm4b:s26+s2] =	stream.linear.scatter [tilespmem:s17], [sflag:$0x6], $0x8000, $0x38;
	[tilespmem:$0x18000] =	vst v63  }
0x10b: {  	_ =	swait.ge [sflag:s7], $0x8000  }
0x10c: {  	[sflag:s7] =	ssyncset.done $0x0  }
0x10d: {  	[sflag:s7] =	ssyncadd.s32 $0xFFFF8000  }
0x10e: {  	[tilespmem:s4], [sflag:$0x2] =	stream.linear.gather [hbm4b:s25+s2], $0x8000, $0x38;
	[tilespmem:$0x18000] =	vst v63  }
0x10f: {  	_ =	swait.ge [sflag:s10], $0x8000  }
0x110: {  	[sflag:s10] =	ssyncset.done $0x0  }
0x111: {  	[sflag:s10] =	ssyncadd.s32 $0xFFFF8000  }
0x112: {  	[hbm4b:s24+s2] =	stream.linear.scatter [tilespmem:s2], [sflag:$0x4], $0x8000, $0x38;
	[tilespmem:$0x18000] =	vst v63  }
0x113: {  	_ =	swait.ge [sflag:s6], $0x8000  }
0x114: {  	[sflag:s6] =	ssyncset.done $0x0  }
0x115: {  	[sflag:s6] =	ssyncadd.s32 $0xFFFF8000  }
0x116: {  	[tilespmem:s17], [sflag:$0x3] =	stream.linear.gather [hbm4b:s23+s2], $0x8000, $0x38;
	[tilespmem:$0x18000] =	vst v63  }
0x117: {  	_ =	swait.ge [sflag:s12], $0x8000  }
0x118: {  	[sflag:s12] =	ssyncset.done $0x0  }
0x119: {  	[sflag:s12] =	ssyncadd.s32 $0xFFFF8000  }
0x11a: {  	[hbm4b:s22+s2] =	stream.linear.scatter [tilespmem:s4], [sflag:$0x5], $0x8000, $0x38;
	[tilespmem:$0x18000] =	vst v63  }
0x11b: {  	_ =	swait.ge [sflag:s9], $0x8000  }
0x11c: {  	[sflag:s9] =	ssyncset.done $0x0  }
0x11d: {  	[sflag:s9] =	ssyncadd.s32 $0xFFFF8000  }
0x11e: {  	[tilespmem:s2], [sflag:$0x1] =	stream.linear.gather [hbm4b:s21+s2], $0x8000, $0x38;
	[tilespmem:$0x18000] =	vst v63  }
0x11f: {  	_ =	swait.ge [sflag:s20], $0x8000  }
0x120: {  	[sflag:s20] =	ssyncset.done $0x0  }
0x121: {  	[sflag:s20] =	ssyncadd.s32 $0xFFFF8000  }
0x122: {  	[hbm4b:s19+s2] =	stream.linear.scatter [tilespmem:s17], [sflag:$0x6], $0x8000, $0x38;
	[tilespmem:$0x18000] =	vst v63  }
0x123: {  	_ =	swait.ge [sflag:s7], $0x8000  }
0x124: {  	[sflag:s7] =	ssyncset.done $0x0  }
0x125: {  	[sflag:s7] =	ssyncadd.s32 $0xFFFF8000  }
0x126: {  	[tilespmem:s4], [sflag:$0x2] =	stream.linear.gather [hbm4b:s18+s2], $0x8000, $0x38;
	[tilespmem:$0x18000] =	vst v63  }
0x127: {  	_ =	swait.ge [sflag:s10], $0x8000  }
0x128: {  	[sflag:s10] =	ssyncset.done $0x0  }
0x129: {  	[sflag:s10] =	ssyncadd.s32 $0xFFFF8000  }
0x12a: {  	[hbm4b:s16+s2] =	stream.linear.scatter [tilespmem:s2], [sflag:$0x4], $0x8000, $0x38;
	[tilespmem:$0x18000] =	vst v63  }
0x12b: {  	_ =	swait.ge [sflag:s6], $0x8000  }
0x12c: {  	[sflag:s6] =	ssyncset.done $0x0  }
0x12d: {  	[sflag:s6] =	ssyncadd.s32 $0xFFFF8000  }
0x12e: {  	[tilespmem:s17], [sflag:$0x3] =	stream.linear.gather [hbm4b:s15+s2], $0x8000, $0x38;
	[tilespmem:$0x18000] =	vst v63  }
0x12f: {  	_ =	swait.ge [sflag:s12], $0x8000  }
0x130: {  	[sflag:s12] =	ssyncset.done $0x0  }
0x131: {  	[sflag:s12] =	ssyncadd.s32 $0xFFFF8000  }
0x132: {  	[hbm4b:s14+s2] =	stream.linear.scatter [tilespmem:s4], [sflag:$0x5], $0x8000, $0x38;
	[tilespmem:$0x18000] =	vst v63  }
0x133: {  	_ =	swait.ge [sflag:s9], $0x8000  }
0x134: {  	[sflag:s9] =	ssyncset.done $0x0  }
0x135: {  	[sflag:s9] =	ssyncadd.s32 $0xFFFF8000  }
0x136: {  	[tilespmem:s2], [sflag:$0x1] =	stream.linear.gather [hbm4b:s13+s2], $0x8000, $0x38;
	[tilespmem:$0x18000] =	vst v63  }
0x137: {  	_ =	swait.ge [sflag:s20], $0x8000  }
0x138: {  	[sflag:s20] =	ssyncset.done $0x0  }
0x139: {  	[sflag:s20] =	ssyncadd.s32 $0xFFFF8000  }
0x13a: {  	[hbm4b:s11+s2] =	stream.linear.scatter [tilespmem:s17], [sflag:$0x6], $0x8000, $0x38;
	[tilespmem:$0x18000] =	vst v63  }
0x13b: {  	_ =	swait.ge [sflag:s7], $0x8000  }
0x13c: {  	[sflag:s7] =	ssyncset.done $0x0  }
0x13d: {  	[sflag:s7] =	ssyncadd.s32 $0xFFFF8000  }
0x13e: {  	[tilespmem:s4], [sflag:$0x2] =	stream.linear.gather [hbm4b:s8+s2], $0x8000, $0x38;
	[tilespmem:$0x18000] =	vst v63  }
0x13f: {  	_ =	swait.ge [sflag:s10], $0x8000  }
0x140: {  	[sflag:s10] =	ssyncset.done $0x0  }
0x141: {  	[sflag:s10] =	ssyncadd.s32 $0xFFFF8000  }
0x142: {  	[hbm4b:s5+s2] =	stream.linear.scatter [tilespmem:s2], [sflag:$0x4], $0x8000, $0x38;
	[tilespmem:$0x18000] =	vst v63  }
0x143: {  	_ =	swait.ge [sflag:s12], $0x8000  }
0x144: {  	[sflag:s12] =	ssyncset.done $0x0  }
0x145: {  	[sflag:s12] =	ssyncadd.s32 $0xFFFF8000  }
0x146: {  	[hbm4b:s3+s2] =	stream.linear.scatter [tilespmem:s4], [sflag:$0x5], $0x8000, $0x38;
	[tilespmem:$0x18000] =	vst v63  }
0x147: {  	_ =	swait.ge [sflag:s9], $0x8000  }
0x148: {  	[sflag:s9] =	ssyncset.done $0x0  }
0x149: {  	[sflag:s9] =	ssyncadd.s32 $0xFFFF8000  }
0x14a: {  	_ =	swait.ge [sflag:s7], $0x8000  }
0x14b: {  	s1 =	sld [smem:$0x7EE];
	_ =	sdelay $0x2  }
0x14c: {  	p1 =	sne.s32 s1, $0x1  }
.Ltmp1:
0x14d: {  	_ = 	snop;
	(pc) =	sbr.rel @!p1 .LBB2_3-.Ltmp1, $4  }
0x14e: {  	[sflag:s7] =	ssyncset.done $0x0  }
0x14f: {  	[sflag:s7] =	ssyncadd.s32 $0xFFFF8000  }
0x150: {  	p0 =	por $0x1, $0x1;
	_ =	swait.ge [sflag:s6], $0x8000  }
0x151: {  	s0 =	sadd.s32 $0xFFFFFFFF, s1;
	s1 =	rddreg [dreg:$0x3];
	[sflag:s6] =	ssyncset.done $0x0  }
.LBB2_2:
0x152: {  	[sflag:s6] =	ssyncadd.s32 $0xFFFF8000;
	s6 =	simm.s32 $0x8000  }
0x153: {  	s17 =	smov.u32 s31;
	s31 =	smov.u32 s30;
	s30 =	smov.u32 s29  }
0x154: {  	s29 =	smov.u32 s28;
	s28 =	smov.u32 s26;
	s26 =	smov.u32 s25  }
0x155: {  	s25 =	smov.u32 s24;
	s24 =	smov.u32 s23;
	s23 =	smov.u32 s22  }
0x156: {  	s22 =	smov.u32 s21;
	s21 =	smov.u32 s19;
	s19 =	smov.u32 s18  }
0x157: {  	s18 =	smov.u32 s16;
	s16 =	smov.u32 s15;
	s15 =	smov.u32 s14  }
0x158: {  	s14 =	smov.u32 s13;
	s13 =	smov.u32 s11;
	s11 =	smov.u32 s8  }
0x159: {  	[tilespmem:s2], [sflag:$0x1] =	stream.linear.gather [hbm4b:s1+s2], $0x8000, $0x38;
	[tilespmem:$0x18000] =	vst v63  }
0x15a: {  	s8 =	smov.u32 s5;
	s5 =	smov.u32 s3;
	s3 =	rddreg [dreg:$0x4]  }
0x15b: {  	[tilespmem:s6], [sflag:$0x2] =	stream.linear.gather [hbm4b:s3+s2], $0x8000, $0x38;
	[tilespmem:$0x18000] =	vst v63  }
0x15c: {  	_ =	swait.ge [sflag:s10], $0x8000  }
0x15d: {  	[sflag:s10] =	ssyncset.done $0x0  }
0x15e: {  	s1 =	rddreg [dreg:$0x5];
	[sflag:s10] =	ssyncadd.s32 $0xFFFF8000  }
0x15f: {  	[hbm4b:s1+s2] =	stream.linear.scatter [tilespmem:s2], [sflag:$0x4], $0x8000, $0x38;
	[tilespmem:$0x18000] =	vst v63  }
0x160: {  	s4 =	simm.s32 $0x10000;
	s3 =	rddreg [dreg:$0x6]  }
0x161: {  	[tilespmem:s4], [sflag:$0x3] =	stream.linear.gather [hbm4b:s3+s2], $0x8000, $0x38;
	[tilespmem:$0x18000] =	vst v63  }
0x162: {  	s4 =	simm.s32 $0x8000  }
0x163: {  	s3 =	smov.u32 s5;
	s5 =	smov.u32 s8;
	s8 =	smov.u32 s11  }
0x164: {  	s11 =	smov.u32 s13;
	s13 =	smov.u32 s14;
	s14 =	smov.u32 s15  }
0x165: {  	s15 =	smov.u32 s16;
	s16 =	smov.u32 s18;
	_ =	swait.ge [sflag:s12], $0x8000  }
0x166: {  	s18 =	smov.u32 s19;
	s19 =	smov.u32 s21;
	[sflag:s12] =	ssyncset.done $0x0  }
0x167: {  	s21 =	smov.u32 s22;
	s1 =	rddreg [dreg:$0x7];
	[sflag:s12] =	ssyncadd.s32 $0xFFFF8000  }
0x168: {  	[hbm4b:s1+s2] =	stream.linear.scatter [tilespmem:s4], [sflag:$0x5], $0x8000, $0x38;
	[tilespmem:$0x18000] =	vst v63  }
0x169: {  	s22 =	smov.u32 s23;
	s23 =	smov.u32 s24;
	_ =	swait.ge [sflag:s9], $0x8000  }
0x16a: {  	s24 =	smov.u32 s25;
	s25 =	smov.u32 s26;
	[sflag:s9] =	ssyncset.done $0x0  }
0x16b: {  	s26 =	smov.u32 s28;
	s1 =	rddreg [dreg:$0x8];
	[sflag:s9] =	ssyncadd.s32 $0xFFFF8000  }
0x16c: {  	[tilespmem:s2], [sflag:$0x1] =	stream.linear.gather [hbm4b:s1+s2], $0x8000, $0x38;
	[tilespmem:$0x18000] =	vst v63  }
0x16d: {  	s28 =	smov.u32 s29;
	s29 =	smov.u32 s30;
	_ =	swait.ge [sflag:s20], $0x8000  }
0x16e: {  	s30 =	smov.u32 s31;
	s31 =	smov.u32 s17;
	[sflag:s20] =	ssyncset.done $0x0  }
0x16f: {  	s17 =	simm.s32 $0x10000;
	s1 =	rddreg [dreg:$0x9];
	[sflag:s20] =	ssyncadd.s32 $0xFFFF8000  }
0x170: {  	[hbm4b:s1+s2] =	stream.linear.scatter [tilespmem:s17], [sflag:$0x6], $0x8000, $0x38;
	[tilespmem:$0x18000] =	vst v63  }
0x171: {  	_ =	swait.ge [sflag:s7], $0x8000  }
0x172: {  	[sflag:s7] =	ssyncset.done $0x0  }
0x173: {  	s1 =	rddreg [dreg:$0xa];
	[sflag:s7] =	ssyncadd.s32 $0xFFFF8000  }
0x174: {  	[tilespmem:s4], [sflag:$0x2] =	stream.linear.gather [hbm4b:s1+s2], $0x8000, $0x38;
	[tilespmem:$0x18000] =	vst v63  }
0x175: {  	_ =	swait.ge [sflag:s10], $0x8000  }
0x176: {  	[sflag:s10] =	ssyncset.done $0x0  }
0x177: {  	s6 =	simm.s32 $0x6;
	s1 =	rddreg [dreg:$0xb];
	[sflag:s10] =	ssyncadd.s32 $0xFFFF8000  }
0x178: {  	[hbm4b:s1+s2] =	stream.linear.scatter [tilespmem:s2], [sflag:$0x4], $0x8000, $0x38;
	[tilespmem:$0x18000] =	vst v63  }
0x179: {  	_ =	swait.ge [sflag:s6], $0x8000  }
0x17a: {  	[sflag:s6] =	ssyncset.done $0x0  }
0x17b: {  	s1 =	rddreg [dreg:$0xc];
	[sflag:s6] =	ssyncadd.s32 $0xFFFF8000  }
0x17c: {  	[tilespmem:s17], [sflag:$0x3] =	stream.linear.gather [hbm4b:s1+s2], $0x8000, $0x38;
	[tilespmem:$0x18000] =	vst v63  }
0x17d: {  	_ =	swait.ge [sflag:s12], $0x8000  }
0x17e: {  	[sflag:s12] =	ssyncset.done $0x0  }
0x17f: {  	s1 =	rddreg [dreg:$0xd];
	[sflag:s12] =	ssyncadd.s32 $0xFFFF8000  }
0x180: {  	[hbm4b:s1+s2] =	stream.linear.scatter [tilespmem:s4], [sflag:$0x5], $0x8000, $0x38;
	[tilespmem:$0x18000] =	vst v63  }
0x181: {  	_ =	swait.ge [sflag:s9], $0x8000  }
0x182: {  	[sflag:s9] =	ssyncset.done $0x0  }
0x183: {  	s1 =	rddreg [dreg:$0xe];
	[sflag:s9] =	ssyncadd.s32 $0xFFFF8000  }
0x184: {  	[tilespmem:s2], [sflag:$0x1] =	stream.linear.gather [hbm4b:s1+s2], $0x8000, $0x38;
	[tilespmem:$0x18000] =	vst v63  }
0x185: {  	_ =	swait.ge [sflag:s20], $0x8000  }
0x186: {  	[sflag:s20] =	ssyncset.done $0x0  }
0x187: {  	s1 =	rddreg [dreg:$0xf];
	[sflag:s20] =	ssyncadd.s32 $0xFFFF8000  }
0x188: {  	[hbm4b:s1+s2] =	stream.linear.scatter [tilespmem:s17], [sflag:$0x6], $0x8000, $0x38;
	[tilespmem:$0x18000] =	vst v63  }
0x189: {  	_ =	swait.ge [sflag:s7], $0x8000  }
0x18a: {  	[sflag:s7] =	ssyncset.done $0x0  }
0x18b: {  	s1 =	rddreg [dreg:$0x10];
	[sflag:s7] =	ssyncadd.s32 $0xFFFF8000  }
0x18c: {  	[tilespmem:s4], [sflag:$0x2] =	stream.linear.gather [hbm4b:s1+s2], $0x8000, $0x38;
	[tilespmem:$0x18000] =	vst v63  }
0x18d: {  	_ =	swait.ge [sflag:s10], $0x8000  }
0x18e: {  	[sflag:s10] =	ssyncset.done $0x0  }
0x18f: {  	s1 =	rddreg [dreg:$0x11];
	[sflag:s10] =	ssyncadd.s32 $0xFFFF8000  }
0x190: {  	[hbm4b:s1+s2] =	stream.linear.scatter [tilespmem:s2], [sflag:$0x4], $0x8000, $0x38;
	[tilespmem:$0x18000] =	vst v63  }
0x191: {  	_ =	swait.ge [sflag:s6], $0x8000  }
0x192: {  	[sflag:s6] =	ssyncset.done $0x0  }
0x193: {  	s1 =	rddreg [dreg:$0x12];
	[sflag:s6] =	ssyncadd.s32 $0xFFFF8000  }
0x194: {  	[tilespmem:s17], [sflag:$0x3] =	stream.linear.gather [hbm4b:s1+s2], $0x8000, $0x38;
	[tilespmem:$0x18000] =	vst v63  }
0x195: {  	_ =	swait.ge [sflag:s12], $0x8000  }
0x196: {  	[sflag:s12] =	ssyncset.done $0x0  }
0x197: {  	s1 =	rddreg [dreg:$0x13];
	[sflag:s12] =	ssyncadd.s32 $0xFFFF8000  }
0x198: {  	[hbm4b:s1+s2] =	stream.linear.scatter [tilespmem:s4], [sflag:$0x5], $0x8000, $0x38;
	[tilespmem:$0x18000] =	vst v63  }
0x199: {  	_ =	swait.ge [sflag:s9], $0x8000  }
0x19a: {  	[sflag:s9] =	ssyncset.done $0x0  }
0x19b: {  	s1 =	rddreg [dreg:$0x14];
	[sflag:s9] =	ssyncadd.s32 $0xFFFF8000  }
0x19c: {  	[tilespmem:s2], [sflag:$0x1] =	stream.linear.gather [hbm4b:s1+s2], $0x8000, $0x38;
	[tilespmem:$0x18000] =	vst v63  }
0x19d: {  	_ =	swait.ge [sflag:s20], $0x8000  }
0x19e: {  	[sflag:s20] =	ssyncset.done $0x0  }
0x19f: {  	s1 =	rddreg [dreg:$0x15];
	[sflag:s20] =	ssyncadd.s32 $0xFFFF8000  }
0x1a0: {  	[hbm4b:s1+s2] =	stream.linear.scatter [tilespmem:s17], [sflag:$0x6], $0x8000, $0x38;
	[tilespmem:$0x18000] =	vst v63  }
0x1a1: {  	_ =	swait.ge [sflag:s7], $0x8000  }
0x1a2: {  	[sflag:s7] =	ssyncset.done $0x0  }
0x1a3: {  	s1 =	rddreg [dreg:$0x16];
	[sflag:s7] =	ssyncadd.s32 $0xFFFF8000  }
0x1a4: {  	[tilespmem:s4], [sflag:$0x2] =	stream.linear.gather [hbm4b:s1+s2], $0x8000, $0x38;
	[tilespmem:$0x18000] =	vst v63  }
0x1a5: {  	_ =	swait.ge [sflag:s10], $0x8000  }
0x1a6: {  	[sflag:s10] =	ssyncset.done $0x0  }
0x1a7: {  	s1 =	rddreg [dreg:$0x17];
	[sflag:s10] =	ssyncadd.s32 $0xFFFF8000  }
0x1a8: {  	[hbm4b:s1+s2] =	stream.linear.scatter [tilespmem:s2], [sflag:$0x4], $0x8000, $0x38;
	[tilespmem:$0x18000] =	vst v63  }
0x1a9: {  	_ =	swait.ge [sflag:s6], $0x8000  }
0x1aa: {  	[sflag:s6] =	ssyncset.done $0x0  }
0x1ab: {  	s1 =	rddreg [dreg:$0x18];
	[sflag:s6] =	ssyncadd.s32 $0xFFFF8000  }
0x1ac: {  	[tilespmem:s17], [sflag:$0x3] =	stream.linear.gather [hbm4b:s1+s2], $0x8000, $0x38;
	[tilespmem:$0x18000] =	vst v63  }
0x1ad: {  	_ =	swait.ge [sflag:s12], $0x8000  }
0x1ae: {  	[sflag:s12] =	ssyncset.done $0x0  }
0x1af: {  	s1 =	rddreg [dreg:$0x19];
	[sflag:s12] =	ssyncadd.s32 $0xFFFF8000  }
0x1b0: {  	[hbm4b:s1+s2] =	stream.linear.scatter [tilespmem:s4], [sflag:$0x5], $0x8000, $0x38;
	[tilespmem:$0x18000] =	vst v63  }
0x1b1: {  	_ =	swait.ge [sflag:s9], $0x8000  }
0x1b2: {  	[sflag:s9] =	ssyncset.done $0x0  }
0x1b3: {  	s1 =	rddreg [dreg:$0x1a];
	[sflag:s9] =	ssyncadd.s32 $0xFFFF8000  }
0x1b4: {  	[tilespmem:s2], [sflag:$0x1] =	stream.linear.gather [hbm4b:s1+s2], $0x8000, $0x38;
	[tilespmem:$0x18000] =	vst v63  }
0x1b5: {  	_ =	swait.ge [sflag:s20], $0x8000  }
0x1b6: {  	[sflag:s20] =	ssyncset.done $0x0  }
0x1b7: {  	s1 =	rddreg [dreg:$0x1b];
	[sflag:s20] =	ssyncadd.s32 $0xFFFF8000  }
0x1b8: {  	[hbm4b:s1+s2] =	stream.linear.scatter [tilespmem:s17], [sflag:$0x6], $0x8000, $0x38;
	[tilespmem:$0x18000] =	vst v63  }
0x1b9: {  	_ =	swait.ge [sflag:s7], $0x8000  }
0x1ba: {  	[sflag:s7] =	ssyncset.done $0x0  }
0x1bb: {  	s1 =	rddreg [dreg:$0x1c];
	[sflag:s7] =	ssyncadd.s32 $0xFFFF8000  }
0x1bc: {  	[tilespmem:s4], [sflag:$0x2] =	stream.linear.gather [hbm4b:s1+s2], $0x8000, $0x38;
	[tilespmem:$0x18000] =	vst v63  }
0x1bd: {  	_ =	swait.ge [sflag:s10], $0x8000  }
0x1be: {  	[sflag:s10] =	ssyncset.done $0x0  }
0x1bf: {  	s1 =	rddreg [dreg:$0x1d];
	[sflag:s10] =	ssyncadd.s32 $0xFFFF8000  }
0x1c0: {  	[hbm4b:s1+s2] =	stream.linear.scatter [tilespmem:s2], [sflag:$0x4], $0x8000, $0x38;
	[tilespmem:$0x18000] =	vst v63  }
0x1c1: {  	_ =	swait.ge [sflag:s6], $0x8000  }
0x1c2: {  	[sflag:s6] =	ssyncset.done $0x0  }
0x1c3: {  	s1 =	rddreg [dreg:$0x1e];
	[sflag:s6] =	ssyncadd.s32 $0xFFFF8000  }
0x1c4: {  	[tilespmem:s17], [sflag:$0x3] =	stream.linear.gather [hbm4b:s1+s2], $0x8000, $0x38;
	[tilespmem:$0x18000] =	vst v63  }
0x1c5: {  	_ =	swait.ge [sflag:s12], $0x8000  }
0x1c6: {  	[sflag:s12] =	ssyncset.done $0x0  }
0x1c7: {  	s1 =	rddreg [dreg:$0x1f];
	[sflag:s12] =	ssyncadd.s32 $0xFFFF8000  }
0x1c8: {  	[hbm4b:s1+s2] =	stream.linear.scatter [tilespmem:s4], [sflag:$0x5], $0x8000, $0x38;
	[tilespmem:$0x18000] =	vst v63  }
0x1c9: {  	_ =	swait.ge [sflag:s9], $0x8000  }
0x1ca: {  	s1 =	sld [smem:$0x7EF]  }
0x1cb: {  	[sflag:s9] =	ssyncset.done $0x0  }
0x1cc: {  	[sflag:s9] =	ssyncadd.s32 $0xFFFF8000  }
0x1cd: {  	[tilespmem:s2], [sflag:$0x1] =	stream.linear.gather [hbm4b:s1+s2], $0x8000, $0x38;
	[tilespmem:$0x18000] =	vst v63  }
0x1ce: {  	_ =	swait.ge [sflag:s20], $0x8000  }
0x1cf: {  	s1 =	sld [smem:$0x7F0]  }
0x1d0: {  	[sflag:s20] =	ssyncset.done $0x0  }
0x1d1: {  	[sflag:s20] =	ssyncadd.s32 $0xFFFF8000  }
0x1d2: {  	[hbm4b:s1+s2] =	stream.linear.scatter [tilespmem:s17], [sflag:$0x6], $0x8000, $0x38;
	[tilespmem:$0x18000] =	vst v63  }
0x1d3: {  	_ =	swait.ge [sflag:s7], $0x8000  }
0x1d4: {  	s1 =	sld [smem:$0x7F1]  }
0x1d5: {  	[sflag:s7] =	ssyncset.done $0x0  }
0x1d6: {  	[sflag:s7] =	ssyncadd.s32 $0xFFFF8000  }
0x1d7: {  	[tilespmem:s4], [sflag:$0x2] =	stream.linear.gather [hbm4b:s1+s2], $0x8000, $0x38;
	[tilespmem:$0x18000] =	vst v63  }
0x1d8: {  	_ =	swait.ge [sflag:s10], $0x8000  }
0x1d9: {  	s1 =	sld [smem:$0x7F2]  }
0x1da: {  	[sflag:s10] =	ssyncset.done $0x0  }
0x1db: {  	[sflag:s10] =	ssyncadd.s32 $0xFFFF8000  }
0x1dc: {  	[hbm4b:s1+s2] =	stream.linear.scatter [tilespmem:s2], [sflag:$0x4], $0x8000, $0x38;
	[tilespmem:$0x18000] =	vst v63  }
0x1dd: {  	_ =	swait.ge [sflag:s6], $0x8000  }
0x1de: {  	s1 =	sld [smem:$0x7F3]  }
0x1df: {  	[sflag:s6] =	ssyncset.done $0x0  }
0x1e0: {  	[sflag:s6] =	ssyncadd.s32 $0xFFFF8000  }
0x1e1: {  	[tilespmem:s17], [sflag:$0x3] =	stream.linear.gather [hbm4b:s1+s2], $0x8000, $0x38;
	[tilespmem:$0x18000] =	vst v63  }
0x1e2: {  	_ =	swait.ge [sflag:s12], $0x8000  }
0x1e3: {  	s1 =	sld [smem:$0x7F4]  }
0x1e4: {  	[sflag:s12] =	ssyncset.done $0x0  }
0x1e5: {  	[sflag:s12] =	ssyncadd.s32 $0xFFFF8000  }
0x1e6: {  	[hbm4b:s1+s2] =	stream.linear.scatter [tilespmem:s4], [sflag:$0x5], $0x8000, $0x38;
	[tilespmem:$0x18000] =	vst v63  }
0x1e7: {  	_ =	swait.ge [sflag:s9], $0x8000  }
0x1e8: {  	s1 =	sld [smem:$0x7F5]  }
0x1e9: {  	[sflag:s9] =	ssyncset.done $0x0  }
0x1ea: {  	[sflag:s9] =	ssyncadd.s32 $0xFFFF8000  }
0x1eb: {  	[tilespmem:s2], [sflag:$0x1] =	stream.linear.gather [hbm4b:s1+s2], $0x8000, $0x38;
	[tilespmem:$0x18000] =	vst v63  }
0x1ec: {  	_ =	swait.ge [sflag:s20], $0x8000  }
0x1ed: {  	s1 =	sld [smem:$0x7F6]  }
0x1ee: {  	[sflag:s20] =	ssyncset.done $0x0  }
0x1ef: {  	[sflag:s20] =	ssyncadd.s32 $0xFFFF8000  }
0x1f0: {  	[hbm4b:s1+s2] =	stream.linear.scatter [tilespmem:s17], [sflag:$0x6], $0x8000, $0x38;
	[tilespmem:$0x18000] =	vst v63  }
0x1f1: {  	_ =	swait.ge [sflag:s7], $0x8000  }
0x1f2: {  	s1 =	sld [smem:$0x7F7]  }
0x1f3: {  	[sflag:s7] =	ssyncset.done $0x0  }
0x1f4: {  	[sflag:s7] =	ssyncadd.s32 $0xFFFF8000  }
0x1f5: {  	[tilespmem:s4], [sflag:$0x2] =	stream.linear.gather [hbm4b:s1+s2], $0x8000, $0x38;
	[tilespmem:$0x18000] =	vst v63  }
0x1f6: {  	_ =	swait.ge [sflag:s10], $0x8000  }
0x1f7: {  	s1 =	sld [smem:$0x7F8]  }
0x1f8: {  	[sflag:s10] =	ssyncset.done $0x0  }
0x1f9: {  	[sflag:s10] =	ssyncadd.s32 $0xFFFF8000  }
0x1fa: {  	[hbm4b:s1+s2] =	stream.linear.scatter [tilespmem:s2], [sflag:$0x4], $0x8000, $0x38;
	[tilespmem:$0x18000] =	vst v63  }
0x1fb: {  	_ =	swait.ge [sflag:s6], $0x8000  }
0x1fc: {  	s1 =	sld [smem:$0x7F9]  }
0x1fd: {  	[sflag:s6] =	ssyncset.done $0x0  }
0x1fe: {  	[sflag:s6] =	ssyncadd.s32 $0xFFFF8000  }
0x1ff: {  	[tilespmem:s17], [sflag:$0x3] =	stream.linear.gather [hbm4b:s1+s2], $0x8000, $0x38;
	[tilespmem:$0x18000] =	vst v63  }
0x200: {  	_ =	swait.ge [sflag:s12], $0x8000  }
0x201: {  	s1 =	sld [smem:$0x7FA]  }
0x202: {  	[sflag:s12] =	ssyncset.done $0x0  }
0x203: {  	[sflag:s12] =	ssyncadd.s32 $0xFFFF8000  }
0x204: {  	[hbm4b:s1+s2] =	stream.linear.scatter [tilespmem:s4], [sflag:$0x5], $0x8000, $0x38;
	[tilespmem:$0x18000] =	vst v63  }
0x205: {  	_ =	swait.ge [sflag:s9], $0x8000  }
0x206: {  	s1 =	sld [smem:$0x7FB]  }
0x207: {  	[sflag:s9] =	ssyncset.done $0x0  }
0x208: {  	[sflag:s9] =	ssyncadd.s32 $0xFFFF8000  }
0x209: {  	[tilespmem:s2], [sflag:$0x1] =	stream.linear.gather [hbm4b:s1+s2], $0x8000, $0x38;
	[tilespmem:$0x18000] =	vst v63  }
0x20a: {  	_ =	swait.ge [sflag:s20], $0x8000  }
0x20b: {  	s1 =	sld [smem:$0x7FC]  }
0x20c: {  	[sflag:s20] =	ssyncset.done $0x0  }
0x20d: {  	[sflag:s20] =	ssyncadd.s32 $0xFFFF8000  }
0x20e: {  	[hbm4b:s1+s2] =	stream.linear.scatter [tilespmem:s17], [sflag:$0x6], $0x8000, $0x38;
	[tilespmem:$0x18000] =	vst v63  }
0x20f: {  	_ =	swait.ge [sflag:s7], $0x8000  }
0x210: {  	s1 =	sld [smem:$0x7FD]  }
0x211: {  	[sflag:s7] =	ssyncset.done $0x0  }
0x212: {  	[sflag:s7] =	ssyncadd.s32 $0xFFFF8000  }
0x213: {  	[tilespmem:s4], [sflag:$0x2] =	stream.linear.gather [hbm4b:s1+s2], $0x8000, $0x38;
	[tilespmem:$0x18000] =	vst v63  }
0x214: {  	_ =	swait.ge [sflag:s10], $0x8000  }
0x215: {  	[sflag:s10] =	ssyncset.done $0x0  }
0x216: {  	[sflag:s10] =	ssyncadd.s32 $0xFFFF8000  }
0x217: {  	[hbm4b:s31+s2] =	stream.linear.scatter [tilespmem:s2], [sflag:$0x4], $0x8000, $0x38;
	[tilespmem:$0x18000] =	vst v63  }
0x218: {  	_ =	swait.ge [sflag:s6], $0x8000  }
0x219: {  	[sflag:s6] =	ssyncset.done $0x0  }
0x21a: {  	[sflag:s6] =	ssyncadd.s32 $0xFFFF8000  }
0x21b: {  	[tilespmem:s17], [sflag:$0x3] =	stream.linear.gather [hbm4b:s30+s2], $0x8000, $0x38;
	[tilespmem:$0x18000] =	vst v63  }
0x21c: {  	_ =	swait.ge [sflag:s12], $0x8000  }
0x21d: {  	[sflag:s12] =	ssyncset.done $0x0  }
0x21e: {  	[sflag:s12] =	ssyncadd.s32 $0xFFFF8000  }
0x21f: {  	[hbm4b:s29+s2] =	stream.linear.scatter [tilespmem:s4], [sflag:$0x5], $0x8000, $0x38;
	[tilespmem:$0x18000] =	vst v63  }
0x220: {  	_ =	swait.ge [sflag:s9], $0x8000  }
0x221: {  	[sflag:s9] =	ssyncset.done $0x0  }
0x222: {  	[sflag:s9] =	ssyncadd.s32 $0xFFFF8000  }
0x223: {  	[tilespmem:s2], [sflag:$0x1] =	stream.linear.gather [hbm4b:s28+s2], $0x8000, $0x38;
	[tilespmem:$0x18000] =	vst v63  }
0x224: {  	_ =	swait.ge [sflag:s20], $0x8000  }
0x225: {  	[sflag:s20] =	ssyncset.done $0x0  }
0x226: {  	[sflag:s20] =	ssyncadd.s32 $0xFFFF8000  }
0x227: {  	[hbm4b:s26+s2] =	stream.linear.scatter [tilespmem:s17], [sflag:$0x6], $0x8000, $0x38;
	[tilespmem:$0x18000] =	vst v63  }
0x228: {  	_ =	swait.ge [sflag:s7], $0x8000  }
0x229: {  	[sflag:s7] =	ssyncset.done $0x0  }
0x22a: {  	[sflag:s7] =	ssyncadd.s32 $0xFFFF8000  }
0x22b: {  	[tilespmem:s4], [sflag:$0x2] =	stream.linear.gather [hbm4b:s25+s2], $0x8000, $0x38;
	[tilespmem:$0x18000] =	vst v63  }
0x22c: {  	_ =	swait.ge [sflag:s10], $0x8000  }
0x22d: {  	[sflag:s10] =	ssyncset.done $0x0  }
0x22e: {  	[sflag:s10] =	ssyncadd.s32 $0xFFFF8000  }
0x22f: {  	[hbm4b:s24+s2] =	stream.linear.scatter [tilespmem:s2], [sflag:$0x4], $0x8000, $0x38;
	[tilespmem:$0x18000] =	vst v63  }
0x230: {  	_ =	swait.ge [sflag:s6], $0x8000  }
0x231: {  	[sflag:s6] =	ssyncset.done $0x0  }
0x232: {  	[sflag:s6] =	ssyncadd.s32 $0xFFFF8000  }
0x233: {  	[tilespmem:s17], [sflag:$0x3] =	stream.linear.gather [hbm4b:s23+s2], $0x8000, $0x38;
	[tilespmem:$0x18000] =	vst v63  }
0x234: {  	_ =	swait.ge [sflag:s12], $0x8000  }
0x235: {  	[sflag:s12] =	ssyncset.done $0x0  }
0x236: {  	[sflag:s12] =	ssyncadd.s32 $0xFFFF8000  }
0x237: {  	[hbm4b:s22+s2] =	stream.linear.scatter [tilespmem:s4], [sflag:$0x5], $0x8000, $0x38;
	[tilespmem:$0x18000] =	vst v63  }
0x238: {  	_ =	swait.ge [sflag:s9], $0x8000  }
0x239: {  	[sflag:s9] =	ssyncset.done $0x0  }
0x23a: {  	[sflag:s9] =	ssyncadd.s32 $0xFFFF8000  }
0x23b: {  	[tilespmem:s2], [sflag:$0x1] =	stream.linear.gather [hbm4b:s21+s2], $0x8000, $0x38;
	[tilespmem:$0x18000] =	vst v63  }
0x23c: {  	_ =	swait.ge [sflag:s20], $0x8000  }
0x23d: {  	[sflag:s20] =	ssyncset.done $0x0  }
0x23e: {  	[sflag:s20] =	ssyncadd.s32 $0xFFFF8000  }
0x23f: {  	[hbm4b:s19+s2] =	stream.linear.scatter [tilespmem:s17], [sflag:$0x6], $0x8000, $0x38;
	[tilespmem:$0x18000] =	vst v63  }
0x240: {  	_ =	swait.ge [sflag:s7], $0x8000  }
0x241: {  	[sflag:s7] =	ssyncset.done $0x0  }
0x242: {  	[sflag:s7] =	ssyncadd.s32 $0xFFFF8000  }
0x243: {  	[tilespmem:s4], [sflag:$0x2] =	stream.linear.gather [hbm4b:s18+s2], $0x8000, $0x38;
	[tilespmem:$0x18000] =	vst v63  }
0x244: {  	_ =	swait.ge [sflag:s10], $0x8000  }
0x245: {  	[sflag:s10] =	ssyncset.done $0x0  }
0x246: {  	[sflag:s10] =	ssyncadd.s32 $0xFFFF8000  }
0x247: {  	[hbm4b:s16+s2] =	stream.linear.scatter [tilespmem:s2], [sflag:$0x4], $0x8000, $0x38;
	[tilespmem:$0x18000] =	vst v63  }
0x248: {  	_ =	swait.ge [sflag:s6], $0x8000  }
0x249: {  	[sflag:s6] =	ssyncset.done $0x0  }
0x24a: {  	[sflag:s6] =	ssyncadd.s32 $0xFFFF8000  }
0x24b: {  	[tilespmem:s17], [sflag:$0x3] =	stream.linear.gather [hbm4b:s15+s2], $0x8000, $0x38;
	[tilespmem:$0x18000] =	vst v63  }
0x24c: {  	_ =	swait.ge [sflag:s12], $0x8000  }
0x24d: {  	[sflag:s12] =	ssyncset.done $0x0  }
0x24e: {  	[sflag:s12] =	ssyncadd.s32 $0xFFFF8000  }
0x24f: {  	[hbm4b:s14+s2] =	stream.linear.scatter [tilespmem:s4], [sflag:$0x5], $0x8000, $0x38;
	[tilespmem:$0x18000] =	vst v63  }
0x250: {  	_ =	swait.ge [sflag:s9], $0x8000  }
0x251: {  	[sflag:s9] =	ssyncset.done $0x0  }
0x252: {  	[sflag:s9] =	ssyncadd.s32 $0xFFFF8000  }
0x253: {  	[tilespmem:s2], [sflag:$0x1] =	stream.linear.gather [hbm4b:s13+s2], $0x8000, $0x38;
	[tilespmem:$0x18000] =	vst v63  }
0x254: {  	_ =	swait.ge [sflag:s20], $0x8000  }
0x255: {  	[sflag:s20] =	ssyncset.done $0x0  }
0x256: {  	[sflag:s20] =	ssyncadd.s32 $0xFFFF8000  }
0x257: {  	[hbm4b:s11+s2] =	stream.linear.scatter [tilespmem:s17], [sflag:$0x6], $0x8000, $0x38;
	[tilespmem:$0x18000] =	vst v63  }
0x258: {  	_ =	swait.ge [sflag:s7], $0x8000  }
0x259: {  	[sflag:s7] =	ssyncset.done $0x0  }
0x25a: {  	[sflag:s7] =	ssyncadd.s32 $0xFFFF8000  }
0x25b: {  	[tilespmem:s4], [sflag:$0x2] =	stream.linear.gather [hbm4b:s8+s2], $0x8000, $0x38;
	[tilespmem:$0x18000] =	vst v63  }
0x25c: {  	_ =	swait.ge [sflag:s10], $0x8000  }
0x25d: {  	[sflag:s10] =	ssyncset.done $0x0  }
0x25e: {  	[sflag:s10] =	ssyncadd.s32 $0xFFFF8000  }
0x25f: {  	[hbm4b:s5+s2] =	stream.linear.scatter [tilespmem:s2], [sflag:$0x4], $0x8000, $0x38;
	[tilespmem:$0x18000] =	vst v63  }
0x260: {  	_ =	swait.ge [sflag:s12], $0x8000  }
0x261: {  	[sflag:s12] =	ssyncset.done $0x0  }
0x262: {  	[sflag:s12] =	ssyncadd.s32 $0xFFFF8000  }
0x263: {  	[hbm4b:s3+s2] =	stream.linear.scatter [tilespmem:s4], [sflag:$0x5], $0x8000, $0x38;
	[tilespmem:$0x18000] =	vst v63  }
0x264: {  	_ =	swait.ge [sflag:s9], $0x8000  }
0x265: {  	[sflag:s9] =	ssyncset.done $0x0  }
0x266: {  	p1 =	sne.s32 s0, $0x1;
	[sflag:s9] =	ssyncadd.s32 $0xFFFF8000  }
.Ltmp2:
0x267: {  	_ =	swait.ge [sflag:s7], $0x8000;
	(pc) =	sbr.rel @p1 .LBB2_2-.Ltmp2, $4  }
0x268: {  	[sflag:s7] =	ssyncset.done $0x0  }
0x269: {  	[sflag:s7] =	ssyncadd.s32 $0xFFFF8000  }
0x26a: {  	_ =	swait.ge [sflag:s6], $0x8000  }
0x26b: {  	s0 =	sadd.s32 $0xFFFFFFFF, s0;
	s1 =	rddreg [dreg:$0x3];
	[sflag:s6] =	ssyncset.done $0x0  }
.LBB2_3:
0x26c: {  	[sflag:s6] =	ssyncadd.s32 @p0 $0xFFFF8000  }
0x26d: {  	[tilespmem:s2], [sflag:$0x1] =	stream.linear.gather [hbm4b:s1+s2], $0x8000, $0x38;
	[tilespmem:$0x18000] =	vst v63  }
0x26e: {  	s0 =	rddreg [dreg:$0x4]  }
0x26f: {  	[tilespmem:s4], [sflag:$0x2] =	stream.linear.gather [hbm4b:s0+s2], $0x8000, $0x38;
	[tilespmem:$0x18000] =	vst v63  }
0x270: {  	_ =	swait.ge [sflag:s10], $0x8000  }
0x271: {  	[sflag:s10] =	ssyncset.done $0x0  }
0x272: {  	s0 =	rddreg [dreg:$0x5];
	[sflag:s10] =	ssyncadd.s32 $0xFFFF8000  }
0x273: {  	[hbm4b:s0+s2] =	stream.linear.scatter [tilespmem:s2], [sflag:$0x4], $0x8000, $0x38;
	[tilespmem:$0x18000] =	vst v63  }
0x274: {  	s1 =	rddreg [dreg:$0x6]  }
0x275: {  	[tilespmem:s17], [sflag:$0x3] =	stream.linear.gather [hbm4b:s1+s2], $0x8000, $0x38;
	[tilespmem:$0x18000] =	vst v63  }
0x276: {  	_ =	swait.ge [sflag:s12], $0x8000  }
0x277: {  	[sflag:s12] =	ssyncset.done $0x0  }
0x278: {  	s1 =	rddreg [dreg:$0x7];
	[sflag:s12] =	ssyncadd.s32 $0xFFFF8000  }
0x279: {  	[hbm4b:s1+s2] =	stream.linear.scatter [tilespmem:s4], [sflag:$0x5], $0x8000, $0x38;
	[tilespmem:$0x18000] =	vst v63  }
0x27a: {  	_ =	swait.ge [sflag:s9], $0x8000  }
0x27b: {  	[sflag:s9] =	ssyncset.done $0x0  }
0x27c: {  	s1 =	rddreg [dreg:$0x8];
	[sflag:s9] =	ssyncadd.s32 $0xFFFF8000  }
0x27d: {  	[tilespmem:s2], [sflag:$0x1] =	stream.linear.gather [hbm4b:s1+s2], $0x8000, $0x38;
	[tilespmem:$0x18000] =	vst v63  }
0x27e: {  	_ =	swait.ge [sflag:s20], $0x8000  }
0x27f: {  	[sflag:s20] =	ssyncset.done $0x0  }
0x280: {  	s1 =	rddreg [dreg:$0x9];
	[sflag:s20] =	ssyncadd.s32 $0xFFFF8000  }
0x281: {  	[hbm4b:s1+s2] =	stream.linear.scatter [tilespmem:s17], [sflag:$0x6], $0x8000, $0x38;
	[tilespmem:$0x18000] =	vst v63  }
0x282: {  	_ =	swait.ge [sflag:s7], $0x8000  }
0x283: {  	[sflag:s7] =	ssyncset.done $0x0  }
0x284: {  	s1 =	rddreg [dreg:$0xa];
	[sflag:s7] =	ssyncadd.s32 $0xFFFF8000  }
0x285: {  	[tilespmem:s4], [sflag:$0x2] =	stream.linear.gather [hbm4b:s1+s2], $0x8000, $0x38;
	[tilespmem:$0x18000] =	vst v63  }
0x286: {  	_ =	swait.ge [sflag:s10], $0x8000  }
0x287: {  	[sflag:s10] =	ssyncset.done $0x0  }
0x288: {  	s1 =	rddreg [dreg:$0xb];
	[sflag:s10] =	ssyncadd.s32 $0xFFFF8000  }
0x289: {  	[hbm4b:s1+s2] =	stream.linear.scatter [tilespmem:s2], [sflag:$0x4], $0x8000, $0x38;
	[tilespmem:$0x18000] =	vst v63  }
0x28a: {  	_ =	swait.ge [sflag:s6], $0x8000  }
0x28b: {  	[sflag:s6] =	ssyncset.done $0x0  }
0x28c: {  	s1 =	rddreg [dreg:$0xc];
	[sflag:s6] =	ssyncadd.s32 $0xFFFF8000  }
0x28d: {  	[tilespmem:s17], [sflag:$0x3] =	stream.linear.gather [hbm4b:s1+s2], $0x8000, $0x38;
	[tilespmem:$0x18000] =	vst v63  }
0x28e: {  	_ =	swait.ge [sflag:s12], $0x8000  }
0x28f: {  	[sflag:s12] =	ssyncset.done $0x0  }
0x290: {  	s1 =	rddreg [dreg:$0xd];
	[sflag:s12] =	ssyncadd.s32 $0xFFFF8000  }
0x291: {  	[hbm4b:s1+s2] =	stream.linear.scatter [tilespmem:s4], [sflag:$0x5], $0x8000, $0x38;
	[tilespmem:$0x18000] =	vst v63  }
0x292: {  	_ =	swait.ge [sflag:s9], $0x8000  }
0x293: {  	[sflag:s9] =	ssyncset.done $0x0  }
0x294: {  	s1 =	rddreg [dreg:$0xe];
	[sflag:s9] =	ssyncadd.s32 $0xFFFF8000  }
0x295: {  	[tilespmem:s2], [sflag:$0x1] =	stream.linear.gather [hbm4b:s1+s2], $0x8000, $0x38;
	[tilespmem:$0x18000] =	vst v63  }
0x296: {  	_ =	swait.ge [sflag:s20], $0x8000  }
0x297: {  	[sflag:s20] =	ssyncset.done $0x0  }
0x298: {  	s1 =	rddreg [dreg:$0xf];
	[sflag:s20] =	ssyncadd.s32 $0xFFFF8000  }
0x299: {  	[hbm4b:s1+s2] =	stream.linear.scatter [tilespmem:s17], [sflag:$0x6], $0x8000, $0x38;
	[tilespmem:$0x18000] =	vst v63  }
0x29a: {  	_ =	swait.ge [sflag:s7], $0x8000  }
0x29b: {  	[sflag:s7] =	ssyncset.done $0x0  }
0x29c: {  	s1 =	rddreg [dreg:$0x10];
	[sflag:s7] =	ssyncadd.s32 $0xFFFF8000  }
0x29d: {  	[tilespmem:s4], [sflag:$0x2] =	stream.linear.gather [hbm4b:s1+s2], $0x8000, $0x38;
	[tilespmem:$0x18000] =	vst v63  }
0x29e: {  	_ =	swait.ge [sflag:s10], $0x8000  }
0x29f: {  	[sflag:s10] =	ssyncset.done $0x0  }
0x2a0: {  	s1 =	rddreg [dreg:$0x11];
	[sflag:s10] =	ssyncadd.s32 $0xFFFF8000  }
0x2a1: {  	[hbm4b:s1+s2] =	stream.linear.scatter [tilespmem:s2], [sflag:$0x4], $0x8000, $0x38;
	[tilespmem:$0x18000] =	vst v63  }
0x2a2: {  	_ =	swait.ge [sflag:s6], $0x8000  }
0x2a3: {  	[sflag:s6] =	ssyncset.done $0x0  }
0x2a4: {  	s1 =	rddreg [dreg:$0x12];
	[sflag:s6] =	ssyncadd.s32 $0xFFFF8000  }
0x2a5: {  	[tilespmem:s17], [sflag:$0x3] =	stream.linear.gather [hbm4b:s1+s2], $0x8000, $0x38;
	[tilespmem:$0x18000] =	vst v63  }
0x2a6: {  	_ =	swait.ge [sflag:s12], $0x8000  }
0x2a7: {  	[sflag:s12] =	ssyncset.done $0x0  }
0x2a8: {  	s1 =	rddreg [dreg:$0x13];
	[sflag:s12] =	ssyncadd.s32 $0xFFFF8000  }
0x2a9: {  	[hbm4b:s1+s2] =	stream.linear.scatter [tilespmem:s4], [sflag:$0x5], $0x8000, $0x38;
	[tilespmem:$0x18000] =	vst v63  }
0x2aa: {  	_ =	swait.ge [sflag:s9], $0x8000  }
0x2ab: {  	[sflag:s9] =	ssyncset.done $0x0  }
0x2ac: {  	s1 =	rddreg [dreg:$0x14];
	[sflag:s9] =	ssyncadd.s32 $0xFFFF8000  }
0x2ad: {  	[tilespmem:s2], [sflag:$0x1] =	stream.linear.gather [hbm4b:s1+s2], $0x8000, $0x38;
	[tilespmem:$0x18000] =	vst v63  }
0x2ae: {  	_ =	swait.ge [sflag:s20], $0x8000  }
0x2af: {  	[sflag:s20] =	ssyncset.done $0x0  }
0x2b0: {  	s1 =	rddreg [dreg:$0x15];
	[sflag:s20] =	ssyncadd.s32 $0xFFFF8000  }
0x2b1: {  	[hbm4b:s1+s2] =	stream.linear.scatter [tilespmem:s17], [sflag:$0x6], $0x8000, $0x38;
	[tilespmem:$0x18000] =	vst v63  }
0x2b2: {  	_ =	swait.ge [sflag:s7], $0x8000  }
0x2b3: {  	[sflag:s7] =	ssyncset.done $0x0  }
0x2b4: {  	s1 =	rddreg [dreg:$0x16];
	[sflag:s7] =	ssyncadd.s32 $0xFFFF8000  }
0x2b5: {  	[tilespmem:s4], [sflag:$0x2] =	stream.linear.gather [hbm4b:s1+s2], $0x8000, $0x38;
	[tilespmem:$0x18000] =	vst v63  }
0x2b6: {  	_ =	swait.ge [sflag:s10], $0x8000  }
0x2b7: {  	[sflag:s10] =	ssyncset.done $0x0  }
0x2b8: {  	s1 =	rddreg [dreg:$0x17];
	[sflag:s10] =	ssyncadd.s32 $0xFFFF8000  }
0x2b9: {  	[hbm4b:s1+s2] =	stream.linear.scatter [tilespmem:s2], [sflag:$0x4], $0x8000, $0x38;
	[tilespmem:$0x18000] =	vst v63  }
0x2ba: {  	_ =	swait.ge [sflag:s6], $0x8000  }
0x2bb: {  	[sflag:s6] =	ssyncset.done $0x0  }
0x2bc: {  	s1 =	rddreg [dreg:$0x18];
	[sflag:s6] =	ssyncadd.s32 $0xFFFF8000  }
0x2bd: {  	[tilespmem:s17], [sflag:$0x3] =	stream.linear.gather [hbm4b:s1+s2], $0x8000, $0x38;
	[tilespmem:$0x18000] =	vst v63  }
0x2be: {  	_ =	swait.ge [sflag:s12], $0x8000  }
0x2bf: {  	[sflag:s12] =	ssyncset.done $0x0  }
0x2c0: {  	s1 =	rddreg [dreg:$0x19];
	[sflag:s12] =	ssyncadd.s32 $0xFFFF8000  }
0x2c1: {  	[hbm4b:s1+s2] =	stream.linear.scatter [tilespmem:s4], [sflag:$0x5], $0x8000, $0x38;
	[tilespmem:$0x18000] =	vst v63  }
0x2c2: {  	_ =	swait.ge [sflag:s9], $0x8000  }
0x2c3: {  	[sflag:s9] =	ssyncset.done $0x0  }
0x2c4: {  	s1 =	rddreg [dreg:$0x1a];
	[sflag:s9] =	ssyncadd.s32 $0xFFFF8000  }
0x2c5: {  	[tilespmem:s2], [sflag:$0x1] =	stream.linear.gather [hbm4b:s1+s2], $0x8000, $0x38;
	[tilespmem:$0x18000] =	vst v63  }
0x2c6: {  	_ =	swait.ge [sflag:s20], $0x8000  }
0x2c7: {  	[sflag:s20] =	ssyncset.done $0x0  }
0x2c8: {  	s1 =	rddreg [dreg:$0x1b];
	[sflag:s20] =	ssyncadd.s32 $0xFFFF8000  }
0x2c9: {  	[hbm4b:s1+s2] =	stream.linear.scatter [tilespmem:s17], [sflag:$0x6], $0x8000, $0x38;
	[tilespmem:$0x18000] =	vst v63  }
0x2ca: {  	_ =	swait.ge [sflag:s7], $0x8000  }
0x2cb: {  	[sflag:s7] =	ssyncset.done $0x0  }
0x2cc: {  	s1 =	rddreg [dreg:$0x1c];
	[sflag:s7] =	ssyncadd.s32 $0xFFFF8000  }
0x2cd: {  	[tilespmem:s4], [sflag:$0x2] =	stream.linear.gather [hbm4b:s1+s2], $0x8000, $0x38;
	[tilespmem:$0x18000] =	vst v63  }
0x2ce: {  	_ =	swait.ge [sflag:s10], $0x8000  }
0x2cf: {  	[sflag:s10] =	ssyncset.done $0x0  }
0x2d0: {  	s1 =	rddreg [dreg:$0x1d];
	[sflag:s10] =	ssyncadd.s32 $0xFFFF8000  }
0x2d1: {  	[hbm4b:s1+s2] =	stream.linear.scatter [tilespmem:s2], [sflag:$0x4], $0x8000, $0x38;
	[tilespmem:$0x18000] =	vst v63  }
0x2d2: {  	_ =	swait.ge [sflag:s6], $0x8000  }
0x2d3: {  	[sflag:s6] =	ssyncset.done $0x0  }
0x2d4: {  	s1 =	rddreg [dreg:$0x1e];
	[sflag:s6] =	ssyncadd.s32 $0xFFFF8000  }
0x2d5: {  	[tilespmem:s17], [sflag:$0x3] =	stream.linear.gather [hbm4b:s1+s2], $0x8000, $0x38;
	[tilespmem:$0x18000] =	vst v63  }
0x2d6: {  	_ =	swait.ge [sflag:s12], $0x8000  }
0x2d7: {  	[sflag:s12] =	ssyncset.done $0x0  }
0x2d8: {  	s1 =	rddreg [dreg:$0x1f];
	[sflag:s12] =	ssyncadd.s32 $0xFFFF8000  }
0x2d9: {  	[hbm4b:s1+s2] =	stream.linear.scatter [tilespmem:s4], [sflag:$0x5], $0x8000, $0x38;
	[tilespmem:$0x18000] =	vst v63  }
0x2da: {  	_ =	swait.ge [sflag:s9], $0x8000  }
0x2db: {  	s1 =	sld [smem:$0x7EF]  }
0x2dc: {  	[sflag:s9] =	ssyncset.done $0x0  }
0x2dd: {  	[sflag:s9] =	ssyncadd.s32 $0xFFFF8000  }
0x2de: {  	[tilespmem:s2], [sflag:$0x1] =	stream.linear.gather [hbm4b:s1+s2], $0x8000, $0x38;
	[tilespmem:$0x18000] =	vst v63  }
0x2df: {  	_ =	swait.ge [sflag:s20], $0x8000  }
0x2e0: {  	s1 =	sld [smem:$0x7F0]  }
0x2e1: {  	[sflag:s20] =	ssyncset.done $0x0  }
0x2e2: {  	[sflag:s20] =	ssyncadd.s32 $0xFFFF8000  }
0x2e3: {  	[hbm4b:s1+s2] =	stream.linear.scatter [tilespmem:s17], [sflag:$0x6], $0x8000, $0x38;
	[tilespmem:$0x18000] =	vst v63  }
0x2e4: {  	_ =	swait.ge [sflag:s7], $0x8000  }
0x2e5: {  	s1 =	sld [smem:$0x7F1]  }
0x2e6: {  	[sflag:s7] =	ssyncset.done $0x0  }
0x2e7: {  	[sflag:s7] =	ssyncadd.s32 $0xFFFF8000  }
0x2e8: {  	[tilespmem:s4], [sflag:$0x2] =	stream.linear.gather [hbm4b:s1+s2], $0x8000, $0x38;
	[tilespmem:$0x18000] =	vst v63  }
0x2e9: {  	_ =	swait.ge [sflag:s10], $0x8000  }
0x2ea: {  	s1 =	sld [smem:$0x7F2]  }
0x2eb: {  	[sflag:s10] =	ssyncset.done $0x0  }
0x2ec: {  	[sflag:s10] =	ssyncadd.s32 $0xFFFF8000  }
0x2ed: {  	[hbm4b:s1+s2] =	stream.linear.scatter [tilespmem:s2], [sflag:$0x4], $0x8000, $0x38;
	[tilespmem:$0x18000] =	vst v63  }
0x2ee: {  	_ =	swait.ge [sflag:s6], $0x8000  }
0x2ef: {  	s1 =	sld [smem:$0x7F3]  }
0x2f0: {  	[sflag:s6] =	ssyncset.done $0x0  }
0x2f1: {  	[sflag:s6] =	ssyncadd.s32 $0xFFFF8000  }
0x2f2: {  	[tilespmem:s17], [sflag:$0x3] =	stream.linear.gather [hbm4b:s1+s2], $0x8000, $0x38;
	[tilespmem:$0x18000] =	vst v63  }
0x2f3: {  	_ =	swait.ge [sflag:s12], $0x8000  }
0x2f4: {  	s1 =	sld [smem:$0x7F4]  }
0x2f5: {  	[sflag:s12] =	ssyncset.done $0x0  }
0x2f6: {  	[sflag:s12] =	ssyncadd.s32 $0xFFFF8000  }
0x2f7: {  	[hbm4b:s1+s2] =	stream.linear.scatter [tilespmem:s4], [sflag:$0x5], $0x8000, $0x38;
	[tilespmem:$0x18000] =	vst v63  }
0x2f8: {  	_ =	swait.ge [sflag:s9], $0x8000  }
0x2f9: {  	s1 =	sld [smem:$0x7F5]  }
0x2fa: {  	[sflag:s9] =	ssyncset.done $0x0  }
0x2fb: {  	[sflag:s9] =	ssyncadd.s32 $0xFFFF8000  }
0x2fc: {  	[tilespmem:s2], [sflag:$0x1] =	stream.linear.gather [hbm4b:s1+s2], $0x8000, $0x38;
	[tilespmem:$0x18000] =	vst v63  }
0x2fd: {  	_ =	swait.ge [sflag:s20], $0x8000  }
0x2fe: {  	s1 =	sld [smem:$0x7F6]  }
0x2ff: {  	[sflag:s20] =	ssyncset.done $0x0  }
0x300: {  	[sflag:s20] =	ssyncadd.s32 $0xFFFF8000  }
0x301: {  	[hbm4b:s1+s2] =	stream.linear.scatter [tilespmem:s17], [sflag:$0x6], $0x8000, $0x38;
	[tilespmem:$0x18000] =	vst v63  }
0x302: {  	_ =	swait.ge [sflag:s7], $0x8000  }
0x303: {  	s1 =	sld [smem:$0x7F7]  }
0x304: {  	[sflag:s7] =	ssyncset.done $0x0  }
0x305: {  	[sflag:s7] =	ssyncadd.s32 $0xFFFF8000  }
0x306: {  	[tilespmem:s4], [sflag:$0x2] =	stream.linear.gather [hbm4b:s1+s2], $0x8000, $0x38;
	[tilespmem:$0x18000] =	vst v63  }
0x307: {  	_ =	swait.ge [sflag:s10], $0x8000  }
0x308: {  	s1 =	sld [smem:$0x7F8]  }
0x309: {  	[sflag:s10] =	ssyncset.done $0x0  }
0x30a: {  	[sflag:s10] =	ssyncadd.s32 $0xFFFF8000  }
0x30b: {  	[hbm4b:s1+s2] =	stream.linear.scatter [tilespmem:s2], [sflag:$0x4], $0x8000, $0x38;
	[tilespmem:$0x18000] =	vst v63  }
0x30c: {  	_ =	swait.ge [sflag:s6], $0x8000  }
0x30d: {  	s1 =	sld [smem:$0x7F9]  }
0x30e: {  	[sflag:s6] =	ssyncset.done $0x0  }
0x30f: {  	[sflag:s6] =	ssyncadd.s32 $0xFFFF8000  }
0x310: {  	[tilespmem:s17], [sflag:$0x3] =	stream.linear.gather [hbm4b:s1+s2], $0x8000, $0x38;
	[tilespmem:$0x18000] =	vst v63  }
0x311: {  	_ =	swait.ge [sflag:s12], $0x8000  }
0x312: {  	s1 =	sld [smem:$0x7FA]  }
0x313: {  	[sflag:s12] =	ssyncset.done $0x0  }
0x314: {  	[sflag:s12] =	ssyncadd.s32 $0xFFFF8000  }
0x315: {  	[hbm4b:s1+s2] =	stream.linear.scatter [tilespmem:s4], [sflag:$0x5], $0x8000, $0x38;
	[tilespmem:$0x18000] =	vst v63  }
0x316: {  	_ =	swait.ge [sflag:s9], $0x8000  }
0x317: {  	s1 =	sld [smem:$0x7FB]  }
0x318: {  	[sflag:s9] =	ssyncset.done $0x0  }
0x319: {  	[sflag:s9] =	ssyncadd.s32 $0xFFFF8000  }
0x31a: {  	[tilespmem:s2], [sflag:$0x1] =	stream.linear.gather [hbm4b:s1+s2], $0x8000, $0x38;
	[tilespmem:$0x18000] =	vst v63  }
0x31b: {  	_ =	swait.ge [sflag:s20], $0x8000  }
0x31c: {  	s1 =	sld [smem:$0x7FC]  }
0x31d: {  	[sflag:s20] =	ssyncset.done $0x0  }
0x31e: {  	[sflag:s20] =	ssyncadd.s32 $0xFFFF8000  }
0x31f: {  	[hbm4b:s1+s2] =	stream.linear.scatter [tilespmem:s17], [sflag:$0x6], $0x8000, $0x38;
	[tilespmem:$0x18000] =	vst v63  }
0x320: {  	_ =	swait.ge [sflag:s7], $0x8000  }
0x321: {  	s1 =	sld [smem:$0x7FD]  }
0x322: {  	[sflag:s7] =	ssyncset.done $0x0  }
0x323: {  	[sflag:s7] =	ssyncadd.s32 $0xFFFF8000  }
0x324: {  	[tilespmem:s4], [sflag:$0x2] =	stream.linear.gather [hbm4b:s1+s2], $0x8000, $0x38;
	[tilespmem:$0x18000] =	vst v63  }
0x325: {  	_ =	swait.ge [sflag:s10], $0x8000  }
0x326: {  	[sflag:s10] =	ssyncset.done $0x0  }
0x327: {  	[sflag:s10] =	ssyncadd.s32 $0xFFFF8000  }
0x328: {  	[hbm4b:s31+s2] =	stream.linear.scatter [tilespmem:s2], [sflag:$0x4], $0x8000, $0x38;
	[tilespmem:$0x18000] =	vst v63  }
0x329: {  	_ =	swait.ge [sflag:s6], $0x8000  }
0x32a: {  	[sflag:s6] =	ssyncset.done $0x0  }
0x32b: {  	[sflag:s6] =	ssyncadd.s32 $0xFFFF8000  }
0x32c: {  	[tilespmem:s17], [sflag:$0x3] =	stream.linear.gather [hbm4b:s30+s2], $0x8000, $0x38;
	[tilespmem:$0x18000] =	vst v63  }
0x32d: {  	_ =	swait.ge [sflag:s12], $0x8000  }
0x32e: {  	[sflag:s12] =	ssyncset.done $0x0  }
0x32f: {  	[sflag:s12] =	ssyncadd.s32 $0xFFFF8000  }
0x330: {  	[hbm4b:s29+s2] =	stream.linear.scatter [tilespmem:s4], [sflag:$0x5], $0x8000, $0x38;
	[tilespmem:$0x18000] =	vst v63  }
0x331: {  	_ =	swait.ge [sflag:s9], $0x8000  }
0x332: {  	[sflag:s9] =	ssyncset.done $0x0  }
0x333: {  	[sflag:s9] =	ssyncadd.s32 $0xFFFF8000  }
0x334: {  	[tilespmem:s2], [sflag:$0x1] =	stream.linear.gather [hbm4b:s28+s2], $0x8000, $0x38;
	[tilespmem:$0x18000] =	vst v63  }
0x335: {  	_ =	swait.ge [sflag:s20], $0x8000  }
0x336: {  	[sflag:s20] =	ssyncset.done $0x0  }
0x337: {  	[sflag:s20] =	ssyncadd.s32 $0xFFFF8000  }
0x338: {  	[hbm4b:s26+s2] =	stream.linear.scatter [tilespmem:s17], [sflag:$0x6], $0x8000, $0x38;
	[tilespmem:$0x18000] =	vst v63  }
0x339: {  	_ =	swait.ge [sflag:s7], $0x8000  }
0x33a: {  	[sflag:s7] =	ssyncset.done $0x0  }
0x33b: {  	[sflag:s7] =	ssyncadd.s32 $0xFFFF8000  }
0x33c: {  	[tilespmem:s4], [sflag:$0x2] =	stream.linear.gather [hbm4b:s25+s2], $0x8000, $0x38;
	[tilespmem:$0x18000] =	vst v63  }
0x33d: {  	_ =	swait.ge [sflag:s10], $0x8000  }
0x33e: {  	[sflag:s10] =	ssyncset.done $0x0  }
0x33f: {  	[sflag:s10] =	ssyncadd.s32 $0xFFFF8000  }
0x340: {  	[hbm4b:s24+s2] =	stream.linear.scatter [tilespmem:s2], [sflag:$0x4], $0x8000, $0x38;
	[tilespmem:$0x18000] =	vst v63  }
0x341: {  	_ =	swait.ge [sflag:s6], $0x8000  }
0x342: {  	[sflag:s6] =	ssyncset.done $0x0  }
0x343: {  	[sflag:s6] =	ssyncadd.s32 $0xFFFF8000  }
0x344: {  	[tilespmem:s17], [sflag:$0x3] =	stream.linear.gather [hbm4b:s23+s2], $0x8000, $0x38;
	[tilespmem:$0x18000] =	vst v63  }
0x345: {  	_ =	swait.ge [sflag:s12], $0x8000  }
0x346: {  	[sflag:s12] =	ssyncset.done $0x0  }
0x347: {  	[sflag:s12] =	ssyncadd.s32 $0xFFFF8000  }
0x348: {  	[hbm4b:s22+s2] =	stream.linear.scatter [tilespmem:s4], [sflag:$0x5], $0x8000, $0x38;
	[tilespmem:$0x18000] =	vst v63  }
0x349: {  	_ =	swait.ge [sflag:s9], $0x8000  }
0x34a: {  	[sflag:s9] =	ssyncset.done $0x0  }
0x34b: {  	[sflag:s9] =	ssyncadd.s32 $0xFFFF8000  }
0x34c: {  	[tilespmem:s2], [sflag:$0x1] =	stream.linear.gather [hbm4b:s21+s2], $0x8000, $0x38;
	[tilespmem:$0x18000] =	vst v63  }
0x34d: {  	_ =	swait.ge [sflag:s20], $0x8000  }
0x34e: {  	[sflag:s20] =	ssyncset.done $0x0  }
0x34f: {  	[sflag:s20] =	ssyncadd.s32 $0xFFFF8000  }
0x350: {  	[hbm4b:s19+s2] =	stream.linear.scatter [tilespmem:s17], [sflag:$0x6], $0x8000, $0x38;
	[tilespmem:$0x18000] =	vst v63  }
0x351: {  	_ =	swait.ge [sflag:s7], $0x8000  }
0x352: {  	[sflag:s7] =	ssyncset.done $0x0  }
0x353: {  	[sflag:s7] =	ssyncadd.s32 $0xFFFF8000  }
0x354: {  	[tilespmem:s4], [sflag:$0x2] =	stream.linear.gather [hbm4b:s18+s2], $0x8000, $0x38;
	[tilespmem:$0x18000] =	vst v63  }
0x355: {  	_ =	swait.ge [sflag:s10], $0x8000  }
0x356: {  	[sflag:s10] =	ssyncset.done $0x0  }
0x357: {  	[sflag:s10] =	ssyncadd.s32 $0xFFFF8000  }
0x358: {  	[hbm4b:s16+s2] =	stream.linear.scatter [tilespmem:s2], [sflag:$0x4], $0x8000, $0x38;
	[tilespmem:$0x18000] =	vst v63  }
0x359: {  	_ =	swait.ge [sflag:s6], $0x8000  }
0x35a: {  	[sflag:s6] =	ssyncset.done $0x0  }
0x35b: {  	[sflag:s6] =	ssyncadd.s32 $0xFFFF8000  }
0x35c: {  	[tilespmem:s17], [sflag:$0x3] =	stream.linear.gather [hbm4b:s15+s2], $0x8000, $0x38;
	[tilespmem:$0x18000] =	vst v63  }
0x35d: {  	_ =	swait.ge [sflag:s12], $0x8000  }
0x35e: {  	[sflag:s12] =	ssyncset.done $0x0  }
0x35f: {  	[sflag:s12] =	ssyncadd.s32 $0xFFFF8000  }
0x360: {  	[hbm4b:s14+s2] =	stream.linear.scatter [tilespmem:s4], [sflag:$0x5], $0x8000, $0x38;
	[tilespmem:$0x18000] =	vst v63  }
0x361: {  	_ =	swait.ge [sflag:s9], $0x8000  }
0x362: {  	[sflag:s9] =	ssyncset.done $0x0  }
0x363: {  	[sflag:s9] =	ssyncadd.s32 $0xFFFF8000  }
0x364: {  	[tilespmem:s2], [sflag:$0x1] =	stream.linear.gather [hbm4b:s13+s2], $0x8000, $0x38;
	[tilespmem:$0x18000] =	vst v63  }
0x365: {  	_ =	swait.ge [sflag:s20], $0x8000  }
0x366: {  	[sflag:s20] =	ssyncset.done $0x0  }
0x367: {  	[sflag:s20] =	ssyncadd.s32 $0xFFFF8000  }
0x368: {  	[hbm4b:s11+s2] =	stream.linear.scatter [tilespmem:s17], [sflag:$0x6], $0x8000, $0x38;
	[tilespmem:$0x18000] =	vst v63  }
0x369: {  	_ =	swait.ge [sflag:s7], $0x8000  }
0x36a: {  	[sflag:s7] =	ssyncset.done $0x0  }
0x36b: {  	[sflag:s7] =	ssyncadd.s32 $0xFFFF8000  }
0x36c: {  	[tilespmem:s4], [sflag:$0x2] =	stream.linear.gather [hbm4b:s8+s2], $0x8000, $0x38;
	[tilespmem:$0x18000] =	vst v63  }
0x36d: {  	_ =	swait.ge [sflag:s10], $0x8000  }
0x36e: {  	[sflag:s10] =	ssyncset.done $0x0  }
0x36f: {  	[sflag:s10] =	ssyncadd.s32 $0xFFFF8000  }
0x370: {  	[hbm4b:s5+s2] =	stream.linear.scatter [tilespmem:s2], [sflag:$0x4], $0x8000, $0x38;
	[tilespmem:$0x18000] =	vst v63  }
0x371: {  	_ =	swait.ge [sflag:s12], $0x8000  }
0x372: {  	[sflag:s12] =	ssyncset.done $0x0  }
0x373: {  	[sflag:s12] =	ssyncadd.s32 $0xFFFF8000  }
0x374: {  	[hbm4b:s3+s2] =	stream.linear.scatter [tilespmem:s4], [sflag:$0x5], $0x8000, $0x38;
	[tilespmem:$0x18000] =	vst v63  }
0x375: {  	_ =	swait.ge [sflag:s9], $0x8000  }
0x376: {  	[sflag:s9] =	ssyncset.done $0x0  }
0x377: {  	[sflag:s9] =	ssyncadd.s32 $0xFFFF8000  }
0x378: {  	_ =	swait.ge [sflag:s7], $0x8000  }
0x379: {  	[sflag:s7] =	ssyncset.done $0x0  }
0x37a: {  	[sflag:s7] =	ssyncadd.s32 $0xFFFF8000  }
0x37b: {  	_ =	swait.ge [sflag:s6], $0x8000  }
0x37c: {  	[sflag:s6] =	ssyncset.done $0x0  }
0x37d: {  	[sflag:s6] =	ssyncadd.s32 $0xFFFF8000  }
0x37e: {  	_ =	sfence.sel $0x180000  }
0x37f: {  	[bflag:$0x0] =	sbarrier.arrive $0xFFFF  }
0x380: {  	_ =	strace $0x90000047  }
0x381: {  	s31 =	stileid.u32;
	[bflag:$0x2] =	sbarrier.arrive $0xFFFF  }
0x382: {  	p0 =	sne.s32 s31, $0x0;
	s0 =	rddreg [dreg:$0x2]  }
0x383: {  	s0 =	sadd.s32 @!p0 $0x100000, s0  }
0x384: {  	[sflag:s0] =	ssyncadd.tile.s32 @!p0 $0x1;
	_ =	shalt  }
.Lfunc_end2:
_tile_overlayer_lowered:
.L_overlay_start_2:
0x385: {  	(tag) =	ssettag $0x2  }
0x386: {  	s0 =	rddreg [dreg:$0x0];
	s2 =	stileid.u32  }
0x387: {  	s1 =	rddreg [dreg:$0x1];
	p0 =	sne.s32 s2, $0x0  }
0x388: {  	s3 =	rddreg [dreg:$0x2];
	[bflag:$0x3] =	sbarrier.arrive $0xFFFF;
	s2 =	simm.s32 @!p0 $0x1C07  }
0x389: {  	[timem:s3], [sflag:s2] =	dma.local @!p0 [hbm:s0], s1  }
0x38a: {  	s0 =	simm.s32 @!p0 $0x7  }
0x38b: {  	_ =	swait.ge @!p0 [sflag:s0], s1  }
0x38c: {  	s1 =	ssub.s32 @!p0 $0x0, s1;
	[sflag:s0] =	ssyncset.done @!p0 $0x0  }
0x38d: {  	[sflag:s0] =	ssyncadd.s32 @!p0 s1  }
0x38e: {  	[bflag:$0x3] =	sbarrier.arrive $0xFFFF  }
0x38f: {  	_ =	shalt  }

</sc_bundles>
